<compile_context>
chip_gen: v7x
topology: tpu7x:2x2x1
jax: 0.10.2.dev20260603
libtpu: 0.0.44.dev20260713+nightly
codegen_flags: <defaults>
</compile_context>

<pallas_src>
import functools

import jax
import jax.numpy as jnp
from jax import lax
from jax.experimental import pallas as pl
from jax.experimental.pallas import tpu as pltpu
from jax.experimental.pallas import tpu_sc as plsc

N_HASHES = 4
CHUNK = 144
REDUCTION = 4
RES_SCALE = 1.0

_SC_CORES = 2
_SC_SUBCORES = 16
_SC_WORKERS = _SC_CORES * _SC_SUBCORES
_GROUP = 128
_GPI = 2
_ROWS_PER_ITER = _GROUP * _GPI


def _sc_gather(table, idx):
    B = idx.shape[0]
    D = table.shape[-1]
    b_per_w = B // _SC_WORKERS
    iters = b_per_w // _ROWS_PER_ITER
    idx3d = idx.reshape(-1, _GPI, _GROUP)

    mesh = plsc.VectorSubcoreMesh(core_axis_name="c", subcore_axis_name="s")

    @functools.partial(
        pl.kernel, mesh=mesh,
        out_type=jax.ShapeDtypeStruct((B, D), jnp.float32),
        scratch_types=[
            pltpu.VMEM((_GPI, _GROUP), jnp.int32),
            pltpu.VMEM((_GPI, _GROUP, D), jnp.float32),
            pltpu.SemaphoreType.DMA,
        ],
    )
    def gather_kernel(tab_hbm, idx_hbm, out_hbm, idx_v, rows_v, sem):
        wid = lax.axis_index("s") * _SC_CORES + lax.axis_index("c")
        base = wid * b_per_w

        def body(c, carry):
            off = base + c * _ROWS_PER_ITER
            it = wid * iters + c
            pltpu.sync_copy(idx_hbm.at[it], idx_v)
            copies = [
                pltpu.async_copy(tab_hbm.at[idx_v.at[g]], rows_v.at[g], sem)
                for g in range(_GPI)
            ]
            for cp in copies:
                cp.wait()
            for g in range(_GPI):
                pltpu.sync_copy(
                    rows_v.at[g],
                    out_hbm.at[pl.ds(off + g * _GROUP, _GROUP)])
            return carry

        lax.fori_loop(0, iters, body, 0)

    return gather_kernel(table, idx3d)


_XC = 48
_SN = 48
_ONE = 63
_YOFF = 64
_YC = 192


def _attn_kernel(p_ref, c_ref, n_ref, out_ref, bs_ref):
    cb, pb, nb = c_ref[...], p_ref[...], n_ref[...]
    xn_q = cb[:, :_XC]
    s_q = cb[:, _SN:_SN + 1]
    keys = jnp.concatenate(
        [xn_q, pb[:, :_XC], nb[:, :_XC]], axis=0)
    cos = lax.dot_general(
        xn_q, keys, (((1,), (1,)), ((), ())),
        preferred_element_type=jnp.float32)
    e = jnp.exp((cos - 1.0) * s_q)
    vals = jnp.concatenate(
        [cb[:, _ONE:], pb[:, _ONE:], nb[:, _ONE:]], axis=0)
    acc = lax.dot_general(
        e, vals, (((1,), (0,)), ((), ())),
        preferred_element_type=jnp.float32)
    s = acc[:, :1]
    bs_ref[0, 0, :] = (s_q + jnp.log(s))[:, 0]
    out_ref[...] = acc[:, 1:] * (1.0 / s)


def _chunked_attention(table_g, n_chunks):
    NC = n_chunks
    D = table_g.shape[-1]
    nblk = N_HASHES * NC

    def spec(d):
        return pl.BlockSpec(
            (CHUNK, D), lambda h, c: (h * NC + (c + d + NC) % NC, 0))

    ret, bs = pl.pallas_call(
        _attn_kernel,
        grid=(N_HASHES, NC),
        in_specs=[spec(-1), spec(0), spec(1)],
        out_specs=[
            pl.BlockSpec((CHUNK, _YC), lambda h, c: (h * NC + c, 0)),
            pl.BlockSpec((1, 1, CHUNK), lambda h, c: (h * NC + c, 0, 0)),
        ],
        out_shape=[
            jax.ShapeDtypeStruct((nblk * CHUNK, _YC), jnp.float32),
            jax.ShapeDtypeStruct((nblk, 1, CHUNK), jnp.float32),
        ],
        compiler_params=pltpu.CompilerParams(
            dimension_semantics=("arbitrary", "arbitrary")),
    )(table_g, table_g, table_g)
    return ret, bs


def kernel(x, W_match, b_match, W_asm, b_asm):
    N, _, H, W = x.shape
    L = H * W
    x_embed = lax.conv_general_dilated(
        x, W_match, window_strides=(1, 1), padding=((1, 1), (1, 1)),
        dimension_numbers=('NCHW', 'OIHW', 'NHWC'))
    x_embed = (x_embed + b_match[None, None, None, :]).reshape(L, -1)
    y_embed = lax.conv_general_dilated(
        x, W_asm, window_strides=(1, 1), padding=((0, 0), (0, 0)),
        dimension_numbers=('NCHW', 'OIHW', 'NHWC'))
    y_embed = (y_embed + b_asm[None, None, None, :]).reshape(L, -1)
    C = x_embed.shape[-1]
    Cr = y_embed.shape[-1]
    hash_buckets = min(L // CHUNK + (L // CHUNK) % 2, 128)

    rkey = jax.random.key(42)
    rot = jax.random.normal(rkey, (1, C, N_HASHES, hash_buckets // 2),
                            dtype=x_embed.dtype)[0]
    rotated = jnp.einsum('tf,fhi->hti', x_embed, rot)
    rotated = jnp.concatenate([rotated, -rotated], axis=-1)
    hash_codes = jnp.argmax(rotated, axis=-1)
    offsets = (jnp.arange(N_HASHES) * hash_buckets).reshape(-1, 1)
    hash_codes = (hash_codes + offsets).reshape(-1)
    n_el = hash_codes.shape[0]
    packed = hash_codes.astype(jnp.int32) * 262144 + jnp.arange(
        n_el, dtype=jnp.int32)
    sorted_packed = lax.sort(packed, is_stable=False)
    indices = jnp.bitwise_and(sorted_packed, 262143)
    undo_sort = jnp.zeros_like(indices).at[indices].set(
        jnp.arange(indices.shape[0], dtype=indices.dtype),
        unique_indices=True)
    mod_indices = indices % L

    padding = CHUNK - L % CHUNK if L % CHUNK != 0 else 0
    Lp = L + padding
    NC = Lp // CHUNK
    mi = mod_indices.reshape(N_HASHES, L)
    if padding:
        idx_ext = jnp.concatenate([mi, mi[:, -padding:]], axis=1)
    else:
        idx_ext = mi
    idx_ext = idx_ext.reshape(-1)
    n_real = idx_ext.shape[0]
    align = _ROWS_PER_ITER * _SC_WORKERS
    n_pad = (-n_real) % align
    idx_ext = jnp.concatenate(
        [idx_ext, jnp.zeros((n_pad,), idx_ext.dtype)])

    nrm = jnp.sqrt(jnp.sum(x_embed * x_embed, axis=-1, keepdims=True))
    xn = x_embed / jnp.maximum(nrm, 5e-5)
    table = jnp.concatenate(
        [xn, nrm, jnp.zeros((L, _ONE - _SN - 1), jnp.float32),
         jnp.ones((L, 1), jnp.float32), y_embed], axis=1)
    table_g = _sc_gather(table, idx_ext)

    ret, bucket_score = _chunked_attention(table_g, NC)

    ret = ret.reshape(N_HASHES, Lp, Cr)
    bucket_score = bucket_score.reshape(N_HASHES, Lp)
    if padding:
        ret = ret[:, :L]
        bucket_score = bucket_score[:, :L]
    ret = ret.reshape(-1, Cr)
    bucket_score = bucket_score.reshape(-1)
    ret = ret[undo_sort]
    bucket_score = bucket_score[undo_sort]
    ret = ret.reshape(N_HASHES, L, Cr)
    bucket_score = bucket_score.reshape(N_HASHES, L, 1)
    probs = jax.nn.softmax(bucket_score, axis=0)
    ret = jnp.sum(ret * probs, axis=0)
    out = ret.T.reshape(N, -1, H, W) * RES_SCALE + x
    return out

# --- scband reference (transcript-rebuilt; emitter-appended) ---
"""Pipeline reference for scband-admm-red-unfold-27367531610605 (READ-ONLY COPY).

The authoritative reference and input builder live on the scoring server;
editing this copy changes nothing except your own understanding.
"""

import jax, jax.numpy as jnp
import numpy as np
from jax.scipy.special import logsumexp

N_HASHES = 4
CHUNK = 144
REDUCTION = 4
RES_SCALE = 1.0


def _conv2d(x, w, b, pad):
    out = jax.lax.conv_general_dilated(
        x, w, window_strides=(1, 1), padding=((pad, pad), (pad, pad)),
        dimension_numbers=('NCHW', 'OIHW', 'NCHW'))
    return out + b[None, :, None, None]


def _add_adjacent_buckets(x):
    # x: [N, h, k, chunk, e]; concat current, previous (roll back), next (roll fwd) chunks along token dim
    x_back = jnp.roll(x, 1, axis=2)
    x_fwd = jnp.roll(x, -1, axis=2)
    return jnp.concatenate([x, x_back, x_fwd], axis=3)


def setup_inputs(seed: int = 0) -> dict:
    key = jax.random.key(seed)
    k1, k2, k3 = jax.random.split(key, 3)
    x = jax.random.normal(k1, (1, 192, 224, 224), dtype=jnp.float32)
    # conv_match: Conv2d(192, 192//4=48, 3, pad 1); conv_assembly: Conv2d(192, 192, 1)
    W_match = jax.random.normal(k2, (48, 192, 3, 3), dtype=jnp.float32) * 0.05
    b_match = jnp.zeros((48,), dtype=jnp.float32)
    W_asm = jax.random.normal(k3, (192, 192, 1, 1), dtype=jnp.float32) * 0.05
    b_asm = jnp.zeros((192,), dtype=jnp.float32)
    return {'x': x, 'W_match': W_match, 'b_match': b_match, 'W_asm': W_asm, 'b_asm': b_asm}


def _forward(x, W_match, b_match, W_asm, b_asm):
    N, _, H, W = x.shape
    L = H * W
    x_embed = _conv2d(x, W_match, b_match, 1).reshape(N, -1, L).transpose(0, 2, 1)  # [N,L,C]
    y_embed = _conv2d(x, W_asm, b_asm, 0).reshape(N, -1, L).transpose(0, 2, 1)      # [N,L,C*r]
    C = x_embed.shape[-1]
    hash_buckets = min(L // CHUNK + (L // CHUNK) % 2, 128)
    # LSH hashing (random rotations; detached / non-differentiable path)
    rkey = jax.random.key(42)
    rot = jax.random.normal(rkey, (1, C, N_HASHES, hash_buckets // 2), dtype=x_embed.dtype)
    rot = jnp.broadcast_to(rot, (N, C, N_HASHES, hash_buckets // 2))
    rotated = jnp.einsum('btf,bfhi->bhti', x_embed, rot)
    rotated = jnp.concatenate([rotated, -rotated], axis=-1)
    hash_codes = jnp.argmax(rotated, axis=-1)  # [N, n_hashes, L] int
    offsets = (jnp.arange(N_HASHES) * hash_buckets).reshape(1, -1, 1)
    hash_codes = (hash_codes + offsets).reshape(N, -1)  # [N, n_hashes*L]
    indices = jnp.argsort(hash_codes, axis=-1)
    undo_sort = jnp.argsort(indices, axis=-1)
    mod_indices = indices % L
    bidx = jnp.arange(N)[:, None]
    x_sorted = x_embed[bidx, mod_indices]  # [N, n_hashes*L, C]
    y_sorted = y_embed[bidx, mod_indices]  # [N, n_hashes*L, C*r]
    padding = CHUNK - L % CHUNK if L % CHUNK != 0 else 0
    x_att = x_sorted.reshape(N, N_HASHES, -1, C)
    y_att = y_sorted.reshape(N, N_HASHES, -1, C * REDUCTION)
    if padding:
        x_att = jnp.concatenate([x_att, x_att[:, :, -padding:, :]], axis=2)
        y_att = jnp.concatenate([y_att, y_att[:, :, -padding:, :]], axis=2)
    x_att = x_att.reshape(N, N_HASHES, -1, CHUNK, C)
    y_att = y_att.reshape(N, N_HASHES, -1, CHUNK, C * REDUCTION)
    nrm = jnp.linalg.norm(x_att, axis=-1, keepdims=True)
    x_match = x_att / jnp.maximum(nrm, 5e-5)
    x_match = _add_adjacent_buckets(x_match)
    y_adj = _add_adjacent_buckets(y_att)
    raw_score = jnp.einsum('bhkie,bhkje->bhkij', x_att, x_match)
    bucket_score = logsumexp(raw_score, axis=-1, keepdims=True)
    score = jnp.exp(raw_score - bucket_score)
    bucket_score = bucket_score.reshape(N, N_HASHES, -1)
    ret = jnp.einsum('bukij,bukje->bukie', score, y_adj)
    ret = ret.reshape(N, N_HASHES, -1, C * REDUCTION)
    if padding:
        ret = ret[:, :, :-padding, :]
        bucket_score = bucket_score[:, :, :-padding]
    ret = ret.reshape(N, -1, C * REDUCTION)
    bucket_score = bucket_score.reshape(N, -1)
    ret = ret[bidx, undo_sort]
    bucket_score = jnp.take_along_axis(bucket_score, undo_sort, axis=1)
    ret = ret.reshape(N, N_HASHES, L, C * REDUCTION)
    bucket_score = bucket_score.reshape(N, N_HASHES, L, 1)
    probs = jax.nn.softmax(bucket_score, axis=1)
    ret = jnp.sum(ret * probs, axis=1)  # [N, L, C*r]
    out = ret.transpose(0, 2, 1).reshape(N, -1, H, W) * RES_SCALE + x
    return out


def reference(x, W_match, b_match, W_asm, b_asm):
    return _forward(x, W_match, b_match, W_asm, b_asm)

if __name__ == "__main__":
    import jax
    _d = setup_inputs()
    print(jax.jit(kernel)(*tuple(_d.values())))

</pallas_src>

<mosaic_0001>
#map = affine_map<(d0, d1) -> (0, 0)>
#map1 = affine_map<(d0, d1) -> (0, 0, 0)>
module attributes {stable_mosaic.version = 14 : i64} {
  func.func @gather_kernel(%arg0: i32, %arg1: i32, %arg2: memref<50176x256xf32, #tpu.memory_space<hbm>>, %arg3: memref<800x2x128xi32, #tpu.memory_space<hbm>>, %arg4: memref<204800x256xf32, #tpu.memory_space<hbm>>, %arg5: memref<2x128xi32, #tpu.memory_space<vmem>>, %arg6: memref<2x128x256xf32, #tpu.memory_space<vmem>>, %arg7: memref<!tpu.dma_semaphore, #tpu.memory_space<semaphore_mem>>) attributes {dimension_semantics = [#tpu.dimension_semantics<core_parallel>, #tpu.dimension_semantics<subcore_parallel>], iteration_bounds = array<i64: 2, 16>, scalar_prefetch = 0 : i64, scratch_operands = 3 : i64, tpu.core_type = #tpu.core_type<sc_vector_subcore>, window_params = [{transform_indices = #map}, {transform_indices = #map1}, {transform_indices = #map}]} {
    %mul3A = arith.constant 2 : i32
    %mul3A_0 = arith.muli %arg1, %mul3A : i32
    %add3A = arith.addi %mul3A_0, %arg0 : i32
    %mul3A_1 = arith.constant 6400 : i32
    %mul3A_2 = arith.muli %add3A, %mul3A_1 : i32
    %scan3A = arith.constant 0 : i32
    %scan3A_3 = arith.constant 0 : i32
    %scan3A_4 = arith.constant 25 : i32
    %scan3A_5 = arith.addi %scan3A_3, %scan3A_4 : i32
    %scan3A_6 = arith.constant 1 : i32
    scf.for %scan3A_8 = %scan3A_3 to %scan3A_5 step %scan3A_6  : i32 {
      %mul3A_9 = arith.constant 256 : i32
      %mul3A_10 = arith.muli %scan3A_8, %mul3A_9 : i32
      %add3A_11 = arith.addi %mul3A_2, %mul3A_10 : i32
      %mul3A_12 = arith.constant 25 : i32
      %mul3A_13 = arith.muli %add3A, %mul3A_12 : i32
      %add3A_14 = arith.addi %mul3A_13, %scan3A_8 : i32
      "tpu.region"() ({
        %run_scoped3A_66 = tpu.sem_alloc : memref<!tpu.dma_semaphore, #tpu.memory_space<semaphore_mem>>
        %dma_start3A_67 = arith.constant 0 : i32
        %dma_start3A_68 = arith.constant 0 : i32
        %dma_start3A_69 = tpu.memref_slice %arg3[%add3A_14, %dma_start3A_67, %dma_start3A_68] : memref<800x2x128xi32, #tpu.memory_space<hbm>> -> memref<1x2x128xi32, #tpu.memory_space<hbm>>
        %dma_start3A_70 = tpu.memref_squeeze %dma_start3A_69 : memref<1x2x128xi32, #tpu.memory_space<hbm>> -> memref<2x128xi32, #tpu.memory_space<hbm>>
        %dma_start3A_71 = arith.constant 0 : i32
        %dma_start3A_72 = arith.constant 0 : i32
        %dma_start3A_73 = tpu.memref_slice %arg3[%add3A_14, %dma_start3A_71, %dma_start3A_72] : memref<800x2x128xi32, #tpu.memory_space<hbm>> -> memref<1x2x128xi32, #tpu.memory_space<hbm>>
        %dma_start3A_74 = tpu.memref_squeeze %dma_start3A_73 : memref<1x2x128xi32, #tpu.memory_space<hbm>> -> memref<2x128xi32, #tpu.memory_space<hbm>>
        tpu.enqueue_dma source(%dma_start3A_74 : memref<2x128xi32, #tpu.memory_space<hbm>>) target(%arg5 : memref<2x128xi32, #tpu.memory_space<vmem>>) target_semaphore(%run_scoped3A_66 : memref<!tpu.dma_semaphore, #tpu.memory_space<semaphore_mem>>)
        %dma_wait3A_75 = arith.constant 0 : i32
        %dma_wait3A_76 = arith.constant 0 : i32
        %dma_wait3A_77 = tpu.memref_slice %arg3[%add3A_14, %dma_wait3A_75, %dma_wait3A_76] : memref<800x2x128xi32, #tpu.memory_space<hbm>> -> memref<1x2x128xi32, #tpu.memory_space<hbm>>
        %dma_wait3A_78 = tpu.memref_squeeze %dma_wait3A_77 : memref<1x2x128xi32, #tpu.memory_space<hbm>> -> memref<2x128xi32, #tpu.memory_space<hbm>>
        %dma_wait3A_79 = arith.constant 0 : i32
        %dma_wait3A_80 = arith.constant 0 : i32
        %dma_wait3A_81 = tpu.memref_slice %arg3[%add3A_14, %dma_wait3A_79, %dma_wait3A_80] : memref<800x2x128xi32, #tpu.memory_space<hbm>> -> memref<1x2x128xi32, #tpu.memory_space<hbm>>
        %dma_wait3A_82 = tpu.memref_squeeze %dma_wait3A_81 : memref<1x2x128xi32, #tpu.memory_space<hbm>> -> memref<2x128xi32, #tpu.memory_space<hbm>>
        tpu.wait_dma2 semaphore(%run_scoped3A_66 : memref<!tpu.dma_semaphore, #tpu.memory_space<semaphore_mem>>) src(%dma_wait3A_82 : memref<2x128xi32, #tpu.memory_space<hbm>>) dst(%arg5 : memref<2x128xi32, #tpu.memory_space<vmem>>)
        tpu.yield
      }) : () -> ()
      %dma_start3A = arith.constant 0 : i32
      %dma_start3A_15 = arith.constant 0 : i32
      %dma_start3A_16 = arith.constant 0 : i32
      %dma_start3A_17 = arith.constant 0 : i32
      %dma_start3A_18 = tpu.memref_slice %arg6[%dma_start3A_15, %dma_start3A_16, %dma_start3A_17] : memref<2x128x256xf32, #tpu.memory_space<vmem>> -> memref<1x128x256xf32, #tpu.memory_space<vmem>>
      %dma_start3A_19 = tpu.memref_squeeze %dma_start3A_18 : memref<1x128x256xf32, #tpu.memory_space<vmem>> -> memref<128x256xf32, #tpu.memory_space<vmem>>
      %dma_start3A_20 = arith.constant 0 : i32
      %dma_start3A_21 = tpu.memref_slice %arg5[%dma_start3A, %dma_start3A_20] : memref<2x128xi32, #tpu.memory_space<vmem>> -> memref<1x128xi32, #tpu.memory_space<vmem>>
      %dma_start3A_22 = tpu.memref_squeeze %dma_start3A_21 : memref<1x128xi32, #tpu.memory_space<vmem>> -> memref<128xi32, #tpu.memory_space<vmem>>
      %dma_start3A_23 = arith.constant 0 : i32
      %dma_start3A_24 = arith.constant 0 : i32
      %dma_start3A_25 = tpu.memref_slice %arg2[%dma_start3A_23, %dma_start3A_24] : memref<50176x256xf32, #tpu.memory_space<hbm>> -> memref<50176x256xf32, #tpu.memory_space<hbm>>
      tpu.enqueue_indirect_dma source(%dma_start3A_25 : memref<50176x256xf32, #tpu.memory_space<hbm>>) target(%dma_start3A_19 : memref<128x256xf32, #tpu.memory_space<vmem>>) offsets(%dma_start3A_22 : memref<128xi32, #tpu.memory_space<vmem>>) semaphore(%arg7 : memref<!tpu.dma_semaphore, #tpu.memory_space<semaphore_mem>>)
      %dma_start3A_26 = arith.constant 1 : i32
      %dma_start3A_27 = arith.constant 1 : i32
      %dma_start3A_28 = arith.constant 0 : i32
      %dma_start3A_29 = arith.constant 0 : i32
      %dma_start3A_30 = tpu.memref_slice %arg6[%dma_start3A_27, %dma_start3A_28, %dma_start3A_29] : memref<2x128x256xf32, #tpu.memory_space<vmem>> -> memref<1x128x256xf32, #tpu.memory_space<vmem>>
      %dma_start3A_31 = tpu.memref_squeeze %dma_start3A_30 : memref<1x128x256xf32, #tpu.memory_space<vmem>> -> memref<128x256xf32, #tpu.memory_space<vmem>>
      %dma_start3A_32 = arith.constant 0 : i32
      %dma_start3A_33 = tpu.memref_slice %arg5[%dma_start3A_26, %dma_start3A_32] : memref<2x128xi32, #tpu.memory_space<vmem>> -> memref<1x128xi32, #tpu.memory_space<vmem>>
      %dma_start3A_34 = tpu.memref_squeeze %dma_start3A_33 : memref<1x128xi32, #tpu.memory_space<vmem>> -> memref<128xi32, #tpu.memory_space<vmem>>
      %dma_start3A_35 = arith.constant 0 : i32
      %dma_start3A_36 = arith.constant 0 : i32
      %dma_start3A_37 = tpu.memref_slice %arg2[%dma_start3A_35, %dma_start3A_36] : memref<50176x256xf32, #tpu.memory_space<hbm>> -> memref<50176x256xf32, #tpu.memory_space<hbm>>
      tpu.enqueue_indirect_dma source(%dma_start3A_37 : memref<50176x256xf32, #tpu.memory_space<hbm>>) target(%dma_start3A_31 : memref<128x256xf32, #tpu.memory_space<vmem>>) offsets(%dma_start3A_34 : memref<128xi32, #tpu.memory_space<vmem>>) semaphore(%arg7 : memref<!tpu.dma_semaphore, #tpu.memory_space<semaphore_mem>>)
      %dma_wait3A = arith.constant 0 : i32
      %dma_wait3A_38 = arith.constant 0 : i32
      %dma_wait3A_39 = arith.constant 0 : i32
      %dma_wait3A_40 = arith.constant 0 : i32
      %dma_wait3A_41 = tpu.memref_slice %arg6[%dma_wait3A_38, %dma_wait3A_39, %dma_wait3A_40] : memref<2x128x256xf32, #tpu.memory_space<vmem>> -> memref<1x128x256xf32, #tpu.memory_space<vmem>>
      %dma_wait3A_42 = tpu.memref_squeeze %dma_wait3A_41 : memref<1x128x256xf32, #tpu.memory_space<vmem>> -> memref<128x256xf32, #tpu.memory_space<vmem>>
      %dma_wait3A_43 = arith.constant 0 : i32
      %dma_wait3A_44 = tpu.memref_slice %arg5[%dma_wait3A, %dma_wait3A_43] : memref<2x128xi32, #tpu.memory_space<vmem>> -> memref<1x128xi32, #tpu.memory_space<vmem>>
      %dma_wait3A_45 = tpu.memref_squeeze %dma_wait3A_44 : memref<1x128xi32, #tpu.memory_space<vmem>> -> memref<128xi32, #tpu.memory_space<vmem>>
      %dma_wait3A_46 = arith.constant 0 : i32
      %dma_wait3A_47 = arith.constant 0 : i32
      %dma_wait3A_48 = tpu.memref_slice %arg2[%dma_wait3A_46, %dma_wait3A_47] : memref<50176x256xf32, #tpu.memory_space<hbm>> -> memref<50176x256xf32, #tpu.memory_space<hbm>>
      tpu.wait_indirect_dma semaphore(%arg7 : memref<!tpu.dma_semaphore, #tpu.memory_space<semaphore_mem>>) src(%dma_wait3A_48 : memref<50176x256xf32, #tpu.memory_space<hbm>>) dst(%dma_wait3A_42 : memref<128x256xf32, #tpu.memory_space<vmem>>)
      %dma_wait3A_49 = arith.constant 1 : i32
      %dma_wait3A_50 = arith.constant 1 : i32
      %dma_wait3A_51 = arith.constant 0 : i32
      %dma_wait3A_52 = arith.constant 0 : i32
      %dma_wait3A_53 = tpu.memref_slice %arg6[%dma_wait3A_50, %dma_wait3A_51, %dma_wait3A_52] : memref<2x128x256xf32, #tpu.memory_space<vmem>> -> memref<1x128x256xf32, #tpu.memory_space<vmem>>
      %dma_wait3A_54 = tpu.memref_squeeze %dma_wait3A_53 : memref<1x128x256xf32, #tpu.memory_space<vmem>> -> memref<128x256xf32, #tpu.memory_space<vmem>>
      %dma_wait3A_55 = arith.constant 0 : i32
      %dma_wait3A_56 = tpu.memref_slice %arg5[%dma_wait3A_49, %dma_wait3A_55] : memref<2x128xi32, #tpu.memory_space<vmem>> -> memref<1x128xi32, #tpu.memory_space<vmem>>
      %dma_wait3A_57 = tpu.memref_squeeze %dma_wait3A_56 : memref<1x128xi32, #tpu.memory_space<vmem>> -> memref<128xi32, #tpu.memory_space<vmem>>
      %dma_wait3A_58 = arith.constant 0 : i32
      %dma_wait3A_59 = arith.constant 0 : i32
      %dma_wait3A_60 = tpu.memref_slice %arg2[%dma_wait3A_58, %dma_wait3A_59] : memref<50176x256xf32, #tpu.memory_space<hbm>> -> memref<50176x256xf32, #tpu.memory_space<hbm>>
      tpu.wait_indirect_dma semaphore(%arg7 : memref<!tpu.dma_semaphore, #tpu.memory_space<semaphore_mem>>) src(%dma_wait3A_60 : memref<50176x256xf32, #tpu.memory_space<hbm>>) dst(%dma_wait3A_54 : memref<128x256xf32, #tpu.memory_space<vmem>>)
      %add3A_61 = arith.constant 0 : i32
      %add3A_62 = arith.addi %add3A_11, %add3A_61 : i32
      %run_scoped3A = arith.constant 0 : i32
      "tpu.region"() ({
        %run_scoped3A_66 = tpu.sem_alloc : memref<!tpu.dma_semaphore, #tpu.memory_space<semaphore_mem>>
        %dma_start3A_67 = arith.constant 0 : i32
        %dma_start3A_68 = arith.constant 0 : i32
        %dma_start3A_69 = tpu.memref_slice %arg6[%run_scoped3A, %dma_start3A_67, %dma_start3A_68] : memref<2x128x256xf32, #tpu.memory_space<vmem>> -> memref<1x128x256xf32, #tpu.memory_space<vmem>>
        %dma_start3A_70 = tpu.memref_squeeze %dma_start3A_69 : memref<1x128x256xf32, #tpu.memory_space<vmem>> -> memref<128x256xf32, #tpu.memory_space<vmem>>
        %dma_start3A_71 = arith.constant 0 : i32
        %dma_start3A_72 = tpu.memref_slice %arg4[%add3A_62, %dma_start3A_71] : memref<204800x256xf32, #tpu.memory_space<hbm>> -> memref<128x256xf32, #tpu.memory_space<hbm>>
        %dma_start3A_73 = arith.constant 0 : i32
        %dma_start3A_74 = tpu.memref_slice %arg4[%add3A_62, %dma_start3A_73] : memref<204800x256xf32, #tpu.memory_space<hbm>> -> memref<128x256xf32, #tpu.memory_space<hbm>>
        %dma_start3A_75 = arith.constant 0 : i32
        %dma_start3A_76 = arith.constant 0 : i32
        %dma_start3A_77 = tpu.memref_slice %arg6[%run_scoped3A, %dma_start3A_75, %dma_start3A_76] : memref<2x128x256xf32, #tpu.memory_space<vmem>> -> memref<1x128x256xf32, #tpu.memory_space<vmem>>
        %dma_start3A_78 = tpu.memref_squeeze %dma_start3A_77 : memref<1x128x256xf32, #tpu.memory_space<vmem>> -> memref<128x256xf32, #tpu.memory_space<vmem>>
        tpu.enqueue_dma source(%dma_start3A_78 : memref<128x256xf32, #tpu.memory_space<vmem>>) target(%dma_start3A_74 : memref<128x256xf32, #tpu.memory_space<hbm>>) target_semaphore(%run_scoped3A_66 : memref<!tpu.dma_semaphore, #tpu.memory_space<semaphore_mem>>)
        %dma_wait3A_79 = arith.constant 0 : i32
        %dma_wait3A_80 = arith.constant 0 : i32
        %dma_wait3A_81 = tpu.memref_slice %arg6[%run_scoped3A, %dma_wait3A_79, %dma_wait3A_80] : memref<2x128x256xf32, #tpu.memory_space<vmem>> -> memref<1x128x256xf32, #tpu.memory_space<vmem>>
        %dma_wait3A_82 = tpu.memref_squeeze %dma_wait3A_81 : memref<1x128x256xf32, #tpu.memory_space<vmem>> -> memref<128x256xf32, #tpu.memory_space<vmem>>
        %dma_wait3A_83 = arith.constant 0 : i32
        %dma_wait3A_84 = tpu.memref_slice %arg4[%add3A_62, %dma_wait3A_83] : memref<204800x256xf32, #tpu.memory_space<hbm>> -> memref<128x256xf32, #tpu.memory_space<hbm>>
        %dma_wait3A_85 = arith.constant 0 : i32
        %dma_wait3A_86 = tpu.memref_slice %arg4[%add3A_62, %dma_wait3A_85] : memref<204800x256xf32, #tpu.memory_space<hbm>> -> memref<128x256xf32, #tpu.memory_space<hbm>>
        %dma_wait3A_87 = arith.constant 0 : i32
        %dma_wait3A_88 = arith.constant 0 : i32
        %dma_wait3A_89 = tpu.memref_slice %arg6[%run_scoped3A, %dma_wait3A_87, %dma_wait3A_88] : memref<2x128x256xf32, #tpu.memory_space<vmem>> -> memref<1x128x256xf32, #tpu.memory_space<vmem>>
        %dma_wait3A_90 = tpu.memref_squeeze %dma_wait3A_89 : memref<1x128x256xf32, #tpu.memory_space<vmem>> -> memref<128x256xf32, #tpu.memory_space<vmem>>
        tpu.wait_dma2 semaphore(%run_scoped3A_66 : memref<!tpu.dma_semaphore, #tpu.memory_space<semaphore_mem>>) src(%dma_wait3A_90 : memref<128x256xf32, #tpu.memory_space<vmem>>) dst(%dma_wait3A_86 : memref<128x256xf32, #tpu.memory_space<hbm>>)
        tpu.yield
      }) : () -> ()
      %add3A_63 = arith.constant 128 : i32
      %add3A_64 = arith.addi %add3A_11, %add3A_63 : i32
      %run_scoped3A_65 = arith.constant 1 : i32
      "tpu.region"() ({
        %run_scoped3A_66 = tpu.sem_alloc : memref<!tpu.dma_semaphore, #tpu.memory_space<semaphore_mem>>
        %dma_start3A_67 = arith.constant 0 : i32
        %dma_start3A_68 = arith.constant 0 : i32
        %dma_start3A_69 = tpu.memref_slice %arg6[%run_scoped3A_65, %dma_start3A_67, %dma_start3A_68] : memref<2x128x256xf32, #tpu.memory_space<vmem>> -> memref<1x128x256xf32, #tpu.memory_space<vmem>>
        %dma_start3A_70 = tpu.memref_squeeze %dma_start3A_69 : memref<1x128x256xf32, #tpu.memory_space<vmem>> -> memref<128x256xf32, #tpu.memory_space<vmem>>
        %dma_start3A_71 = arith.constant 0 : i32
        %dma_start3A_72 = tpu.memref_slice %arg4[%add3A_64, %dma_start3A_71] : memref<204800x256xf32, #tpu.memory_space<hbm>> -> memref<128x256xf32, #tpu.memory_space<hbm>>
        %dma_start3A_73 = arith.constant 0 : i32
        %dma_start3A_74 = tpu.memref_slice %arg4[%add3A_64, %dma_start3A_73] : memref<204800x256xf32, #tpu.memory_space<hbm>> -> memref<128x256xf32, #tpu.memory_space<hbm>>
        %dma_start3A_75 = arith.constant 0 : i32
        %dma_start3A_76 = arith.constant 0 : i32
        %dma_start3A_77 = tpu.memref_slice %arg6[%run_scoped3A_65, %dma_start3A_75, %dma_start3A_76] : memref<2x128x256xf32, #tpu.memory_space<vmem>> -> memref<1x128x256xf32, #tpu.memory_space<vmem>>
        %dma_start3A_78 = tpu.memref_squeeze %dma_start3A_77 : memref<1x128x256xf32, #tpu.memory_space<vmem>> -> memref<128x256xf32, #tpu.memory_space<vmem>>
        tpu.enqueue_dma source(%dma_start3A_78 : memref<128x256xf32, #tpu.memory_space<vmem>>) target(%dma_start3A_74 : memref<128x256xf32, #tpu.memory_space<hbm>>) target_semaphore(%run_scoped3A_66 : memref<!tpu.dma_semaphore, #tpu.memory_space<semaphore_mem>>)
        %dma_wait3A_79 = arith.constant 0 : i32
        %dma_wait3A_80 = arith.constant 0 : i32
        %dma_wait3A_81 = tpu.memref_slice %arg6[%run_scoped3A_65, %dma_wait3A_79, %dma_wait3A_80] : memref<2x128x256xf32, #tpu.memory_space<vmem>> -> memref<1x128x256xf32, #tpu.memory_space<vmem>>
        %dma_wait3A_82 = tpu.memref_squeeze %dma_wait3A_81 : memref<1x128x256xf32, #tpu.memory_space<vmem>> -> memref<128x256xf32, #tpu.memory_space<vmem>>
        %dma_wait3A_83 = arith.constant 0 : i32
        %dma_wait3A_84 = tpu.memref_slice %arg4[%add3A_64, %dma_wait3A_83] : memref<204800x256xf32, #tpu.memory_space<hbm>> -> memref<128x256xf32, #tpu.memory_space<hbm>>
        %dma_wait3A_85 = arith.constant 0 : i32
        %dma_wait3A_86 = tpu.memref_slice %arg4[%add3A_64, %dma_wait3A_85] : memref<204800x256xf32, #tpu.memory_space<hbm>> -> memref<128x256xf32, #tpu.memory_space<hbm>>
        %dma_wait3A_87 = arith.constant 0 : i32
        %dma_wait3A_88 = arith.constant 0 : i32
        %dma_wait3A_89 = tpu.memref_slice %arg6[%run_scoped3A_65, %dma_wait3A_87, %dma_wait3A_88] : memref<2x128x256xf32, #tpu.memory_space<vmem>> -> memref<1x128x256xf32, #tpu.memory_space<vmem>>
        %dma_wait3A_90 = tpu.memref_squeeze %dma_wait3A_89 : memref<1x128x256xf32, #tpu.memory_space<vmem>> -> memref<128x256xf32, #tpu.memory_space<vmem>>
        tpu.wait_dma2 semaphore(%run_scoped3A_66 : memref<!tpu.dma_semaphore, #tpu.memory_space<semaphore_mem>>) src(%dma_wait3A_90 : memref<128x256xf32, #tpu.memory_space<vmem>>) dst(%dma_wait3A_86 : memref<128x256xf32, #tpu.memory_space<hbm>>)
        tpu.yield
      }) : () -> ()
    }
    %scan3A_7 = arith.constant 25 : i32
    return
  }
}

module attributes {stable_mosaic.version = 14 : i64} {
  func.func @_attn_kernel(%arg0: i32, %arg1: i32, %arg2: memref<144x256xf32, #tpu.memory_space<vmem>>, %arg3: memref<144x256xf32, #tpu.memory_space<vmem>>, %arg4: memref<144x256xf32, #tpu.memory_space<vmem>>, %arg5: memref<144x192xf32, #tpu.memory_space<vmem>>, %arg6: memref<1x1x144xf32, #tpu.memory_space<vmem>>) attributes {dimension_semantics = [#tpu.dimension_semantics<arbitrary>, #tpu.dimension_semantics<arbitrary>], iteration_bounds = array<i64: 4, 349>, scalar_prefetch = 0 : i64, scratch_operands = 0 : i64, tpu.core_type = #tpu.core_type<tc>, window_params = [{transform_indices = @transform_0, window_bounds = array<i64: 144, 256>}, {transform_indices = @transform_1, window_bounds = array<i64: 144, 256>}, {transform_indices = @transform_2, window_bounds = array<i64: 144, 256>}, {transform_indices = @transform_3, window_bounds = array<i64: 144, 192>}, {transform_indices = @transform_4, window_bounds = array<i64: 1, 1, 144>}]} {
    %get3A = arith.constant 0 : index
    %get3A_0 = arith.constant 0 : index
    %get3A_1 = vector.load %arg3[%get3A, %get3A_0] : memref<144x256xf32, #tpu.memory_space<vmem>>, vector<144x256xf32>
    %get3A_2 = arith.constant 0 : index
    %get3A_3 = arith.constant 0 : index
    %get3A_4 = vector.load %arg2[%get3A_2, %get3A_3] : memref<144x256xf32, #tpu.memory_space<vmem>>, vector<144x256xf32>
    %get3A_5 = arith.constant 0 : index
    %get3A_6 = arith.constant 0 : index
    %get3A_7 = vector.load %arg4[%get3A_5, %get3A_6] : memref<144x256xf32, #tpu.memory_space<vmem>>, vector<144x256xf32>
    %slice3A = vector.extract_strided_slice %get3A_1 {offsets = [0, 0], sizes = [144, 48], strides = [1, 1]} : vector<144x256xf32> to vector<144x48xf32>
    %slice3A_8 = vector.extract_strided_slice %get3A_1 {offsets = [0, 48], sizes = [144, 1], strides = [1, 1]} : vector<144x256xf32> to vector<144x1xf32>
    %slice3A_9 = vector.extract_strided_slice %get3A_4 {offsets = [0, 0], sizes = [144, 48], strides = [1, 1]} : vector<144x256xf32> to vector<144x48xf32>
    %slice3A_10 = vector.extract_strided_slice %get3A_7 {offsets = [0, 0], sizes = [144, 48], strides = [1, 1]} : vector<144x256xf32> to vector<144x48xf32>
    %concatenate3A = tpu.concatenate %slice3A, %slice3A_9, %slice3A_10 in 0 : vector<144x48xf32>, vector<144x48xf32>, vector<144x48xf32> -> vector<432x48xf32>
    %dot_general3A = arith.constant dense<0.000000e+00> : vector<144x432xf32>
    %dot_general3A_11 = tpu.matmul %slice3A, %concatenate3A, %dot_general3A {dimension_numbers = #tpu.dot_dimension_numbers<[1], [1], [0], [0], [0, 0, 1, 0], [], []>, transpose_lhs_hint = false} : vector<144x48xf32>, vector<432x48xf32>, vector<144x432xf32> -> vector<144x432xf32>
    %sub3A = arith.constant 1.000000e+00 : f32
    %sub3A_12 = vector.broadcast %sub3A : f32 to vector<144x432xf32>
    %sub3A_13 = arith.subf %dot_general3A_11, %sub3A_12 : vector<144x432xf32>
    %mul3A = vector.broadcast %slice3A_8 : vector<144x1xf32> to vector<144x432xf32>
    %mul3A_14 = arith.mulf %sub3A_13, %mul3A : vector<144x432xf32>
    %exp3A = math.exp %mul3A_14 : vector<144x432xf32>
    %slice3A_15 = vector.extract_strided_slice %get3A_1 {offsets = [0, 63], sizes = [144, 193], strides = [1, 1]} : vector<144x256xf32> to vector<144x193xf32>
    %slice3A_16 = vector.extract_strided_slice %get3A_4 {offsets = [0, 63], sizes = [144, 193], strides = [1, 1]} : vector<144x256xf32> to vector<144x193xf32>
    %slice3A_17 = vector.extract_strided_slice %get3A_7 {offsets = [0, 63], sizes = [144, 193], strides = [1, 1]} : vector<144x256xf32> to vector<144x193xf32>
    %concatenate3A_18 = tpu.concatenate %slice3A_15, %slice3A_16, %slice3A_17 in 0 : vector<144x193xf32>, vector<144x193xf32>, vector<144x193xf32> -> vector<432x193xf32>
    %dot_general3A_19 = arith.constant dense<0.000000e+00> : vector<144x193xf32>
    %dot_general3A_20 = tpu.matmul %exp3A, %concatenate3A_18, %dot_general3A_19 {dimension_numbers = #tpu.dot_dimension_numbers<[1], [0], [0], [1], [0, 0, 1, 1], [], []>, transpose_lhs_hint = false} : vector<144x432xf32>, vector<432x193xf32>, vector<144x193xf32> -> vector<144x193xf32>
    %slice3A_21 = vector.extract_strided_slice %dot_general3A_20 {offsets = [0, 0], sizes = [144, 1], strides = [1, 1]} : vector<144x193xf32> to vector<144x1xf32>
    %log3A = math.log %slice3A_21 : vector<144x1xf32>
    %add3A = arith.addf %slice3A_8, %log3A : vector<144x1xf32>
    %squeeze3A = vector.shape_cast %add3A : vector<144x1xf32> to vector<144xf32>
    %swap3A = arith.constant 0 : index
    %swap3A_22 = arith.constant 0 : index
    %swap3A_23 = arith.constant 0 : index
    %swap3A_24 = vector.load %arg6[%swap3A, %swap3A_22, %swap3A_23] : memref<1x1x144xf32, #tpu.memory_space<vmem>>, vector<1x1x144xf32>
    %swap3A_25 = vector.shape_cast %swap3A_24 : vector<1x1x144xf32> to vector<144xf32>
    %swap3A_26 = vector.shape_cast %squeeze3A : vector<144xf32> to vector<1x1x144xf32>
    tpu.vector_store %arg6[%swap3A, %swap3A_22, %swap3A_23], %swap3A_26 {strides = array<i32>} : memref<1x1x144xf32, #tpu.memory_space<vmem>>, vector<1x1x144xf32>,
    %slice3A_27 = vector.extract_strided_slice %dot_general3A_20 {offsets = [0, 1], sizes = [144, 192], strides = [1, 1]} : vector<144x193xf32> to vector<144x192xf32>
    %div3A = arith.constant 1.000000e+00 : f32
    %div3A_28 = vector.broadcast %div3A : f32 to vector<144x1xf32>
    %div3A_29 = arith.divf %div3A_28, %slice3A_21 : vector<144x1xf32>
    %mul3A_30 = vector.broadcast %div3A_29 : vector<144x1xf32> to vector<144x192xf32>
    %mul3A_31 = arith.mulf %slice3A_27, %mul3A_30 : vector<144x192xf32>
    %swap3A_32 = arith.constant 0 : index
    %swap3A_33 = arith.constant 0 : index
    %swap3A_34 = vector.load %arg5[%swap3A_32, %swap3A_33] : memref<144x192xf32, #tpu.memory_space<vmem>>, vector<144x192xf32>
    tpu.vector_store %arg5[%swap3A_32, %swap3A_33], %mul3A_31 {strides = array<i32>} : memref<144x192xf32, #tpu.memory_space<vmem>>, vector<144x192xf32>,
    return
  }
  func.func @transform_0(%arg0: i32, %arg1: i32) -> (i32, i32) {
    %mul3A = arith.constant 349 : i32
    %mul3A_0 = arith.muli %arg0, %mul3A : i32
    %add3A = arith.constant -1 : i32
    %add3A_1 = arith.addi %arg1, %add3A : i32
    %add3A_2 = arith.constant 349 : i32
    %add3A_3 = arith.addi %add3A_1, %add3A_2 : i32
    %jit3A = arith.constant 349 : i32
    %eq3A = arith.constant 0 : i32
    %eq3A_4 = arith.cmpi eq, %jit3A, %eq3A : i32
    %jit3A_5 = arith.constant 1 : i32
    %select_n3A = arith.select %eq3A_4, %jit3A_5, %jit3A : i32
    %rem3A = arith.remsi %add3A_3, %select_n3A : i32
    %ne3A = arith.constant 0 : i32
    %ne3A_6 = arith.cmpi ne, %rem3A, %ne3A : i32
    %lt3A = arith.constant 0 : i32
    %lt3A_7 = arith.cmpi slt, %rem3A, %lt3A : i32
    %lt3A_8 = arith.constant 0 : i32
    %lt3A_9 = arith.cmpi slt, %select_n3A, %lt3A_8 : i32
    %ne3A_10 = arith.xori %lt3A_7, %lt3A_9 : i1
    %and3A = arith.andi %ne3A_10, %ne3A_6 : i1
    %add3A_11 = arith.addi %rem3A, %select_n3A : i32
    %select_n3A_12 = arith.select %and3A, %add3A_11, %rem3A : i32
    %add3A_13 = arith.addi %mul3A_0, %select_n3A_12 : i32
    %c0_i32 = arith.constant 0 : i32
    %c0_i32_14 = arith.constant 0 : i32
    return %add3A_13, %c0_i32 : i32, i32
  }
  func.func @transform_1(%arg0: i32, %arg1: i32) -> (i32, i32) {
    %mul3A = arith.constant 349 : i32
    %mul3A_0 = arith.muli %arg0, %mul3A : i32
    %add3A = arith.constant 0 : i32
    %add3A_1 = arith.addi %arg1, %add3A : i32
    %add3A_2 = arith.constant 349 : i32
    %add3A_3 = arith.addi %add3A_1, %add3A_2 : i32
    %jit3A = arith.constant 349 : i32
    %eq3A = arith.constant 0 : i32
    %eq3A_4 = arith.cmpi eq, %jit3A, %eq3A : i32
    %jit3A_5 = arith.constant 1 : i32
    %select_n3A = arith.select %eq3A_4, %jit3A_5, %jit3A : i32
    %rem3A = arith.remsi %add3A_3, %select_n3A : i32
    %ne3A = arith.constant 0 : i32
    %ne3A_6 = arith.cmpi ne, %rem3A, %ne3A : i32
    %lt3A = arith.constant 0 : i32
    %lt3A_7 = arith.cmpi slt, %rem3A, %lt3A : i32
    %lt3A_8 = arith.constant 0 : i32
    %lt3A_9 = arith.cmpi slt, %select_n3A, %lt3A_8 : i32
    %ne3A_10 = arith.xori %lt3A_7, %lt3A_9 : i1
    %and3A = arith.andi %ne3A_10, %ne3A_6 : i1
    %add3A_11 = arith.addi %rem3A, %select_n3A : i32
    %select_n3A_12 = arith.select %and3A, %add3A_11, %rem3A : i32
    %add3A_13 = arith.addi %mul3A_0, %select_n3A_12 : i32
    %c0_i32 = arith.constant 0 : i32
    %c0_i32_14 = arith.constant 0 : i32
    return %add3A_13, %c0_i32 : i32, i32
  }
  func.func @transform_2(%arg0: i32, %arg1: i32) -> (i32, i32) {
    %mul3A = arith.constant 349 : i32
    %mul3A_0 = arith.muli %arg0, %mul3A : i32
    %add3A = arith.constant 1 : i32
    %add3A_1 = arith.addi %arg1, %add3A : i32
    %add3A_2 = arith.constant 349 : i32
    %add3A_3 = arith.addi %add3A_1, %add3A_2 : i32
    %jit3A = arith.constant 349 : i32
    %eq3A = arith.constant 0 : i32
    %eq3A_4 = arith.cmpi eq, %jit3A, %eq3A : i32
    %jit3A_5 = arith.constant 1 : i32
    %select_n3A = arith.select %eq3A_4, %jit3A_5, %jit3A : i32
    %rem3A = arith.remsi %add3A_3, %select_n3A : i32
    %ne3A = arith.constant 0 : i32
    %ne3A_6 = arith.cmpi ne, %rem3A, %ne3A : i32
    %lt3A = arith.constant 0 : i32
    %lt3A_7 = arith.cmpi slt, %rem3A, %lt3A : i32
    %lt3A_8 = arith.constant 0 : i32
    %lt3A_9 = arith.cmpi slt, %select_n3A, %lt3A_8 : i32
    %ne3A_10 = arith.xori %lt3A_7, %lt3A_9 : i1
    %and3A = arith.andi %ne3A_10, %ne3A_6 : i1
    %add3A_11 = arith.addi %rem3A, %select_n3A : i32
    %select_n3A_12 = arith.select %and3A, %add3A_11, %rem3A : i32
    %add3A_13 = arith.addi %mul3A_0, %select_n3A_12 : i32
    %c0_i32 = arith.constant 0 : i32
    %c0_i32_14 = arith.constant 0 : i32
    return %add3A_13, %c0_i32 : i32, i32
  }
  func.func @transform_3(%arg0: i32, %arg1: i32) -> (i32, i32) {
    %mul3A = arith.constant 349 : i32
    %mul3A_0 = arith.muli %arg0, %mul3A : i32
    %add3A = arith.addi %mul3A_0, %arg1 : i32
    %c0_i32 = arith.constant 0 : i32
    %c0_i32_1 = arith.constant 0 : i32
    return %add3A, %c0_i32 : i32, i32
  }
  func.func @transform_4(%arg0: i32, %arg1: i32) -> (i32, i32, i32) {
    %mul3A = arith.constant 349 : i32
    %mul3A_0 = arith.muli %arg0, %mul3A : i32
    %add3A = arith.addi %mul3A_0, %arg1 : i32
    %c0_i32 = arith.constant 0 : i32
    %c0_i32_1 = arith.constant 0 : i32
    %c0_i32_2 = arith.constant 0 : i32
    return %add3A, %c0_i32, %c0_i32_1 : i32, i32, i32
  }
}

</mosaic_0001>

<sc_bundles>
// kernel: gather_offload_async_start.1
scs
__scs_entry_jumppad:
0x0: {  	(pc) =	sbr.rel $0x88, $3  }
0x1: {  	(tag) =	ssettag $0x0;
	lr =	simm.s32 $0x1  }
0x2: {  	[smem:$0x3F9C] =	sst lr;
	_ =	strace $0xD0000000  }
0x3: {  	_ = 	snop  }
0x4: {  	_ = 	snop  }
0x5: {  	_ = 	snop  }
0x6: {  	_ = 	snop  }
0x7: {  	_ = 	snop  }
__scs_overlays_trampoline_lowered:
0x8: {  	[smem:$0x3FAB] =	sst s0  }
0x9: {  	[smem:$0x3FAC] =	sst s1  }
0xa: {  	[smem:$0x3FAD] =	sst s2  }
0xb: {  	[smem:$0x3FAE] =	sst s3  }
0xc: {  	[smem:$0x3FAF] =	sst s4  }
0xd: {  	[smem:$0x3FB0] =	sst s5  }
0xe: {  	[smem:$0x3FB1] =	sst s6  }
0xf: {  	[smem:$0x3FB2] =	sst s7  }
0x10: {  	[smem:$0x3FB3] =	sst s8  }
0x11: {  	[smem:$0x3FB4] =	sst s9;
	s0 =	simm.s32 @!p0 $0x0  }
0x12: {  	s1 =	sld [smem:$0x3F9A];
	s0 =	simm.s32 @p0 $0x1  }
0x13: {  	[smem:$0x3FB5] =	sst s0;
	s0 =	simm.s32 @!p1 $0x0  }
0x14: {  	s2 =	sld [smem:$0x3F99];
	s0 =	simm.s32 @p1 $0x1  }
0x15: {  	[smem:$0x3FB6] =	sst s0;
	s0 =	simm.s32 @!p2 $0x0  }
0x16: {  	s3 =	sld [smem:$0x3FDB];
	s0 =	simm.s32 @p2 $0x1  }
0x17: {  	s4 =	simm.s32 $0x1BF5;
	[smem:$0x3FB8] =	sst s0  }
0x18: {  	s0 =	sld [smem:$0x3F9B];
	_ =	swait.ge [sflag:s4], $0x0  }
0x19: {  	s7 =	sld [smem:$0x3F9C]  }
0x1a: {  	s8 =	sadd.s32 $0xFFFFE003, lr  }
0x1b: {  	s9 =	sadd.s32 $0xFFFFFEF7, lr;
	s5 =	simm.s32 $0xFFFFFFFF;
	p2 =	slt.u32 s8, $0xFFFFF086  }
0x1c: {  	p1 =	slt.u32 s9, $0xF7A;
	s5 =	simm.s32 @!p2 $0x0  }
0x1d: {  	s5 =	simm.s32 @p1 $0x1;
	p0 =	seq.s32 s7, s2  }
0x1e: {  	s7 =	smul.u32 @!p0 $0xF7A, s2;
	p2 =	seq.s32 @!p0 s5, $0x0  }
0x1f: {  	s9 =	smul.u32 $0xF7A, s1;
	s8 =	simm.s32 @!p0 $0x1BF5;
	p2 =	por !p2, p0  }
0x20: {  	[sflag:s8] =	ssyncset.s32 @!p0 $0xFFFFF086;
	s6 =	sadd.s32 @!p0 s3, s7;
	s7 =	simm.s32 @!p0 $0x108  }
0x21: {  	s3 =	sadd.s32 s3, s9;
	s6 =	sadd.s32 @!p0 $0x88, s6;
	s7 =	simm.s32 @p2 $0x1082  }
0x22: {  	[simem:s7], [sflag:s8] =	dma.local @!p0 [hbm:s6], $0xF7A  }
0x23: {  	s9 =	sor.u32 $0xD0000000, s2;
	s6 =	simm.s32 $0x108;
	_ =	swait.ge @!p0 [sflag:s8], $0x0  }
0x24: {  	s3 =	sadd.s32 $0x88, s3;
	s6 =	simm.s32 @!p1 $0x1082;
	[sflag:s4] =	ssyncset.s32 $0xFFFFF086  }
0x25: {  	[simem:s6], [sflag:s4] =	dma.local [hbm:s3], $0xF7A  }
0x26: {  	[smem:$0x3F9C] =	sst s1;
	(tag) =	ssettag s2;
	_ =	strace s9  }
0x27: {  	s1 =	sld [smem:$0x3FAC]  }
0x28: {  	s2 =	sld [smem:$0x3FAD]  }
0x29: {  	s4 =	sld [smem:$0x3FAF]  }
0x2a: {  	p0 =	seq.s32 s5, $0x0;
	s5 =	sld [smem:$0x3FB0]  }
0x2b: {  	s6 =	sld [smem:$0x3FB1]  }
0x2c: {  	s7 =	sld [smem:$0x3FB2]  }
0x2d: {  	s3 =	simm.s32 $0x108;
	s8 =	sld [smem:$0x3FB3]  }
0x2e: {  	s3 =	simm.s32 @!p0 $0x1082;
	s9 =	sld [smem:$0x3FB4]  }
0x2f: {  	lr =	sadd.s32 s0, s3;
	s0 =	sld [smem:$0x3FAB]  }
0x30: {  	s3 =	sld [smem:$0x3FAE]  }
0x31: {  	[smem:$0x3FB7] =	sst s10  }
0x32: {  	s10 =	sld [smem:$0x3FB5];
	_ =	sdelay $0x3  }
0x33: {  	p0 =	seq.s32 s10, $0x1;
	s10 =	sld [smem:$0x3FB7];
	_ =	sdelay $0x3  }
0x34: {  	[smem:$0x3FB7] =	sst s10  }
0x35: {  	s10 =	sld [smem:$0x3FB6];
	_ =	sdelay $0x3  }
0x36: {  	p1 =	seq.s32 s10, $0x1;
	s10 =	sld [smem:$0x3FB7];
	_ =	sdelay $0x3  }
0x37: {  	[smem:$0x3FB7] =	sst s10  }
0x38: {  	s10 =	sld [smem:$0x3FB8]  }
0x39: {  	_ = 	snop;
	(pc) =	sbr.ind lr, $3  }
0x3a: {  	_ = 	snop  }
0x3b: {  	_ = 	snop  }
0x3c: {  	p2 =	seq.s32 s10, $0x1;
	s10 =	sld [smem:$0x3FB7]  }
0x3d: {  	_ =	shalt  }
0x3e: {  	_ =	shalt  }
0x3f: {  	_ =	shalt  }
0x40: {  	_ =	shalt  }
0x41: {  	_ =	shalt  }
0x42: {  	_ =	shalt  }
0x43: {  	_ =	shalt  }
0x44: {  	_ =	shalt  }
0x45: {  	_ =	shalt  }
0x46: {  	_ =	shalt  }
0x47: {  	_ =	shalt  }
0x48: {  	_ =	shalt  }
0x49: {  	_ =	shalt  }
0x4a: {  	_ =	shalt  }
0x4b: {  	_ =	shalt  }
0x4c: {  	_ =	shalt  }
0x4d: {  	_ =	shalt  }
0x4e: {  	_ =	shalt  }
0x4f: {  	_ =	shalt  }
0x50: {  	_ =	shalt  }
0x51: {  	_ =	shalt  }
0x52: {  	_ =	shalt  }
0x53: {  	_ =	shalt  }
0x54: {  	_ =	shalt  }
0x55: {  	_ =	shalt  }
0x56: {  	_ =	shalt  }
0x57: {  	_ =	shalt  }
0x58: {  	_ =	shalt  }
0x59: {  	_ =	shalt  }
0x5a: {  	_ =	shalt  }
0x5b: {  	_ =	shalt  }
0x5c: {  	_ =	shalt  }
0x5d: {  	_ =	shalt  }
0x5e: {  	_ =	shalt  }
0x5f: {  	_ =	shalt  }
0x60: {  	_ =	shalt  }
0x61: {  	_ =	shalt  }
0x62: {  	_ =	shalt  }
0x63: {  	_ =	shalt  }
0x64: {  	_ =	shalt  }
0x65: {  	_ =	shalt  }
0x66: {  	_ =	shalt  }
0x67: {  	_ =	shalt  }
0x68: {  	_ =	shalt  }
0x69: {  	_ =	shalt  }
0x6a: {  	_ =	shalt  }
0x6b: {  	_ =	shalt  }
0x6c: {  	_ =	shalt  }
0x6d: {  	_ =	shalt  }
0x6e: {  	_ =	shalt  }
0x6f: {  	_ =	shalt  }
0x70: {  	_ =	shalt  }
0x71: {  	_ =	shalt  }
0x72: {  	_ =	shalt  }
0x73: {  	_ =	shalt  }
0x74: {  	_ =	shalt  }
0x75: {  	_ =	shalt  }
0x76: {  	_ =	shalt  }
0x77: {  	_ =	shalt  }
0x78: {  	_ =	shalt  }
0x79: {  	_ =	shalt  }
0x7a: {  	_ =	shalt  }
0x7b: {  	_ =	shalt  }
0x7c: {  	_ =	shalt  }
0x7d: {  	_ =	shalt  }
0x7e: {  	_ =	shalt  }
0x7f: {  	_ =	shalt  }
0x80: {  	_ =	shalt  }
0x81: {  	_ =	shalt  }
0x82: {  	_ =	shalt  }
0x83: {  	_ =	shalt  }
0x84: {  	_ =	shalt  }
0x85: {  	_ =	shalt  }
0x86: {  	_ =	shalt  }
0x87: {  	_ =	shalt  }
.Lfunc_end0:
.L_simem_size_0:
called_computation.3_lowered:
.L_overlay_start_0:
0x88: {  	s2 =	sld [smem:$0x3FD9]  }
0x89: {  	s3 =	sld [smem:$0x3FFE];
	_ =	sdelay $0x1  }
0x8a: {  	s1 =	srdreg.scid  }
0x8b: {  	s0 =	sand.u32 $0x1, s1  }
0x8c: {  	s17 =	sshll.u32 s0, $0xA;
	s2 =	sadd.s32 s3, s2  }
0x8d: {  	s2 =	sadd.s32 s2, s17  }
0x8e: {  	[smem:$0x3FC3] =	sst s2  }
0x8f: {  	_ = 	snop  }
0x90: {  	s2 =	sld [smem:$0x3FD0];
	(tm) =	ssettm $0x1  }
0x91: {  	s18 =	sld [smem:$0x3FFB];
	_ =	sdelay $0x3  }
0x92: {  	_ =	strace s18  }
0x93: {  	s3 =	sld [smem:$0x3FFC];
	_ =	sdelay $0x3  }
0x94: {  	_ =	strace s3  }
0x95: {  	s3 =	sld [smem:$0x3FFD];
	_ =	sdelay $0x3  }
0x96: {  	_ =	strace s3  }
0x97: {  	_ =	strace $0x8FFFFFFF  }
0x98: {  	s19 =	sld [smem:$0x3FDB];
	_ =	sdelay $0x1  }
0x99: {  	s4 =	simm.s32 $_scs_section_size  }
0x9a: {  	s5 =	simm.s32 $_size__tile_overlayer_lowered;
	s6 =	simm.s32 $_tile_overlayer_lowered  }
0x9b: {  	s22 =	simm.s32 $0x1BFF;
	s21 =	sshll.u32 s6, $0x1;
	s3 =	sadd.s32 s4, s19  }
0x9c: {  	s7 =	simm.s32 $0x0;
	s20 =	sshll.u32 s5, $0x1;
	s5 =	sadd.s32 s21, s3  }
0x9d: {  	[timem:s7], [sflag:s22] =	dma.local [hbm:s5], s20  }
0x9e: {  	_ =	swait.ge [sflag:s22], s20  }
0x9f: {  	s4 =	ssub.s32 $0x0, s20;
	[sflag:s22] =	ssyncset.done $0x0  }
0xa0: {  	[sflag:s22] =	ssyncadd.s32 s4;
	_ =	sdelay $0x1  }
0xa1: {  	s23 =	simm.s32 $0x1B8B  }
0xa2: {  	_ =	swait.ge [sflag:s23], $0x1  }
0xa3: {  	[sflag:s23] =	ssyncset.done $0x0  }
0xa4: {  	s25 =	simm.s32 $0x1B8E;
	s24 =	sld [smem:$0x3FFE];
	[sflag:s23] =	ssyncadd.s32 $0xFFFFFFFF  }
0xa5: {  	s26 =	simm.s32 $execute0_lowered;
	[smem:$0x3FD2] =	sst s25  }
0xa6: {  	s5 =	sshll.u32 s26, $0x1;
	_ =	strace $0x8000004C;
	[dreg:$0x1] =	wrdreg $0xFFFFFFFF  }
0xa7: {  	s28 =	simm.s32 $_size_execute0_lowered;
	s3 =	sadd.s32 s3, s5;
	[dreg:$0x0] =	wrdreg $0x0  }
0xa8: {  	s5 =	sshll.u32 s28, $0x1;
	[dreg:$0x2] =	wrdreg s3  }
0xa9: {  	[dreg:$0x3] =	wrdreg s5  }
0xaa: {  	[dreg:$0x4] =	wrdreg $0xC0  }
0xab: {  	_ =	task [dreg:s7], $0x5FFFF  }
0xac: {  	[dreg:$0x1] =	wrdreg $0xFFFFFFFF  }
0xad: {  	[dreg:$0x0] =	wrdreg $0x60  }
0xae: {  	[dreg:$0x2] =	wrdreg s24  }
0xaf: {  	[dreg:$0x3] =	wrdreg s2  }
0xb0: {  	[dreg:$0x4] =	wrdreg $0xA  }
0xb1: {  	_ =	task.clear_ibuf [dreg:s7], $0x5FFFF;
	_ =	strace $0x9000004C  }
0xb2: {  	s29 =	simm.s32 $0xA;
	_ =	strace $0x8000004E  }
0xb3: {  	_ =	swait.ge [sflag:s29], $0x1  }
0xb4: {  	[sflag:s29] =	ssyncadd.s32 $0xFFFFFFFF  }
0xb5: {  	_ =	strace $0x9000004E  }
0xb6: {  	_ =	sfence  }
0xb7: {  	s30 =	sld [smem:$0x0];
	_ =	sdelay $0x2  }
0xb8: {  	s31 =	sshll.u32 s1, $0xD;
	s1 =	sshrl.u32 s1, $0x2  }
0xb9: {  	s3 =	sand.u32 $0x4000, s31;
	s1 =	sadd.s32 s1, s30  }
0xba: {  	s0 =	sor.u32 s3, s0;
	s1 =	sshll.u32 s1, $0x11  }
0xbb: {  	s0 =	sor.u32 s1, s0  }
0xbc: {  	s0 =	sadd.s32 $0x8F2B, s0  }
0xbd: {  	[sflag:s0] =	ssyncadd.remote.s32 $0x1  }
0xbe: {  	_ =	sfence.sel $0xFFFF  }
0xbf: {  	[dreg:$0x0] =	wrdreg $0xFFFFFFFF;
	(pc) =	sbr.abs _section_cstart, $3  }
0xc0: {  	[dreg:$0x1] =	wrdreg $0xFFFFFFFF  }
0xc1: {  	_ =	task.clear_ibuf [dreg:s7], $0x2FFFF;
	_ =	strace $0x9FFFFFFF  }
0xc2: {  	(tm) =	ssettm $0x7FFFFFFF  }
0xc3: {  	_ =	shalt  }
tec
execute0_lowered:
.L_overlay_start_1:
0x0: {  	(tag) =	ssettag $0x1  }
0x1: {  	s8 =	rddreg [dreg:$0x0]  }
0x2: {  	s2 =	rddreg [dreg:$0x1]  }
0x3: {  	s0 =	rddreg [dreg:$0x2];
	s1 =	stileid.u32  }
0x4: {  	s3 =	srdreg.scid;
	_ =	strace $0x8000004D;
	s4 =	simm.s32 $0x1  }
0x5: {  	s7 =	simm.s32 $0x1;
	s9 =	simm.s32 $0x1;
	s10 =	simm.s32 $0x3  }
0x6: {  	s13 =	simm.s32 $0x0;
	s5 =	sand.u32 $0x1, s3;
	s6 =	sshll.u32 s1, $0x1  }
0x7: {  	s12 =	simm.s32 $0x0;
	s3 =	sadd.s32 $0x621200, s8;
	s5 =	sor.u32 s6, s5  }
.Ltmp0:
0x8: {  	[sflag:s4] =	ssyncpa.u1 $0x0;
	p0 =	slt.u32 s5, $0x19;
	(pc) =	sbr.rel .LBB2_1-.Ltmp0, $4  }
0x9: {  	s6 =	simm.s32 $0x2;
	s7 =	simm.s32 @!p0 $0x0;
	p0 =	sne.s32 s5, $0x18  }
0xa: {  	[sflag:s6] =	ssyncpa.u1 $0x0;
	s5 =	smul.u32 $0xE00, s5;
	s9 =	simm.s32 @!p0 $0x0  }
0xb: {  	s8 =	sadd.s32 $0x627400, s8;
	[sflag:s10] =	ssyncpa.u1 $0x0;
	s7 =	sadd.s32 s9, s7  }
0xc: {  	vm0 =	vmmov $0xffff;
	s10 =	simm.s32 $0x0;
	s11 =	smov.u32 s5;
	s9 =	sadd.s32 $0x1, s7  }
.LBB2_4:
0xd: {  	v2 =	vnsel vm1, $0x0, v2  }
0xe: {  	vm1 =	vgt.s32 v0, $0x0;
	v2 =	vmin.u32 v2, $0x30FFF  }
0xf: {  	v0 =	vnsel vm1, $0x0, v0  }
0x10: {  	v0 =	vmin.u32 v0, $0x30FFF  }
0x11: {  	[tilespmem:s18], [sflag:$0x1] =	stream.indirect_vreg.gather [hbm4b:s3+s10], $0x1, v1, vm0, $0x4038;
	[tilespmem:$0x3800] =	vst v63  }
0x12: {  	(ifvalue) =	ssetifvalue $0x7FFFFFFF  }
0x13: {  	[tilespmem:s15], [sflag:$0x1] =	stream.indirect_vreg.gather [hbm4b:s3+s10], $0x1, v2, vm0, $0x4038;
	[tilespmem:$0x3800] =	vst v63  }
0x14: {  	s29 =	sadd.s32 $0x10, s15;
	(ifvalue) =	ssetifvalue $0x7FFFFFFF  }
0x15: {  	[tilespmem:s29], [sflag:$0x1] =	stream.indirect_vreg.gather [hbm4b:s3+s10], $0x1, v0, vm0, $0x4038;
	[tilespmem:$0x3800] =	vst v63  }
0x16: {  	_ =	swait.ge [sflag:s4], $0xE00  }
0x17: {  	s30 =	sshrl.u32 s13, $0x3;
	[sflag:s4] =	ssyncset.done $0x0  }
0x18: {  	s31 =	sand.u32 $0x7, s13;
	s15 =	sadd.s32 s8, s30;
	[sflag:s4] =	ssyncadd.s32 $0xFFFFF200  }
0x19: {  	[hbm4b:s15+s31] =	stream.linear.scatter [tilespmem:s14], [sflag:$0x3], $0xE00, $0x38;
	[tilespmem:$0x3800] =	vst v63  }
.LBB2_5:
0x1a: {  	s15 =	sadd.s32 $0x1C000, s11  }
0x1b: {  	p1 =	sgt.s32 s15, $0x30FFF  }
0x1c: {  	s15 =	smov.u32 @p1 s5;
	p1 =	sne.s32 s12, s9  }
.Ltmp1:
0x1d: {  	p0 =	slt.u32 s12, $0x2;
	(pc) =	sbr.rel @!p1 .LBB2_6-.Ltmp1, $4  }
0x1e: {  	s14 =	simm.s32 @!p0 $0x3  }
0x1f: {  	_ =	swait.ge @!p0 [sflag:s14], $0xE00  }
0x20: {  	s16 =	sadd.s32 $0x1, s12;
	s13 =	smov.u32 s11;
	[sflag:s14] =	ssyncset.done @!p0 $0x0  }
0x21: {  	s12 =	smov.u32 s16;
	s11 =	smov.u32 s15;
	[sflag:s14] =	ssyncadd.s32 @!p0 $0xFFFFF200  }
.LBB2_1:
0x22: {  	p0 =	sge.u32 s12, s7  }
0x23: {  	s14 =	sxor.u32 @!p0 $0x1, s12  }
0x24: {  	s14 =	smul.u32 @!p0 $0x3800, s14  }
0x25: {  	s31 =	sadd.s32 $0xFFFFFFFF, s12;
	s15 =	sshrl.u32 @!p0 s11, $0x3  }
0x26: {  	s16 =	sand.u32 @!p0 $0x7, s11;
	s15 =	sadd.s32 @!p0 s2, s15;
	s14 =	sshra.s32 @!p0 s14, $0x2  }
0x27: {  	[tilespmem:s14], [sflag:$0x2] =	stream.linear.gather @!p0 [hbm4b:s15+s16], $0xE00, $0x38;
	[tilespmem:$0x3800] =	vst v63  }
0x28: {  	p0 =	sge.u32 s31, s7  }
.Ltmp2:
0x29: {  	_ = 	snop;
	(pc) =	sbr.rel @p0 .LBB2_5-.Ltmp2, $1  }
0x2a: {  	_ =	sdelay $0x3  }
0x2b: {  	s14 =	sand.u32 $0x1, s12  }
0x2c: {  	_ =	swait.ge [sflag:s6], $0xE00;
	p0 =	seq.s32 s14, $0x1;
	s14 =	simm.s32 $0xE00  }
0x2d: {  	[sflag:s6] =	ssyncset.done $0x0;
	s14 =	simm.s32 @!p0 $0x0  }
0x2e: {  	[sflag:s6] =	ssyncadd.s32 $0xFFFFF200;
	(ifvalue) =	ssetifvalue $0x7FFFFFFF;
	v0 =	vld.msk [tilespmem:s14+$0x0 ss:$0x1], $0xffff;
	_ =	sdelay $0x4  }
0x2f: {  	s15 =	sadd.s32 $0x10, s14;
	vm1 =	vgt.s32 v0, $0x0  }
0x30: {  	v2 =	vld.msk [tilespmem:s15+$0x0 ss:$0x1], $0xffff;
	v1 =	vnsel vm1, $0x0, v0  }
0x31: {  	v1 =	vmin.u32 v1, $0x30FFF;
	_ =	sdelay $0x2  }
0x32: {  	s17 =	simm.s32 $0x20;
	s14 =	sadd.s32 $0x1C00, s14;
	s16 =	sadd.s32 $0x10, s15  }
0x33: {  	s15 =	sadd.s32 $0x10, s14;
	s18 =	smov.u32 s14;
	v0 =	vld.msk [tilespmem:s16+$0x0 ss:$0x1], $0xffff;
	vm1 =	vgt.s32 v2, $0x0;
	(ifvalue) =	ssetifvalue $0x7FFFFFFF  }
.LBB2_3:
0x34: {  	[tilespmem:s18], [sflag:$0x1] =	stream.indirect_vreg.gather [hbm4b:s3+s10], $0x1, v1, vm0, $0x4038;
	[tilespmem:$0x3800] =	vst v63  }
0x35: {  	s17 =	sadd.s32 $0x10, s17  }
0x36: {  	v2 =	vnsel vm1, $0x0, v2;
	p0 =	slt.u32 s17, $0xDF0  }
.Ltmp3:
0x37: {  	s18 =	smov.u32 s15;
	v1 =	vmin.u32 v2, $0x30FFF;
	(pc) =	sbr.rel @p0 .LBB2_3-.Ltmp3, $3  }
0x38: {  	_ =	sdelay $0x1  }
0x39: {  	s16 =	sadd.s32 $0x10, s16  }
0x3a: {  	vm1 =	vgt.s32 v0, $0x0;
	s15 =	sadd.s32 $0x10, s15;
	v2 =	vmov v0;
	(ifvalue) =	ssetifvalue $0x7FFFFFFF;
	v0 =	vld.msk [tilespmem:s16+$0x0 ss:$0x1], $0xffff  }
.Ltmp4:
0x3b: {  	_ = 	snop;
	(pc) =	sbr.rel .LBB2_4-.Ltmp4, $1  }
0x3c: {  	_ =	sdelay $0x3  }
.LBB2_6:
0x3d: {  	_ =	sfence.sel $0x180000  }
0x3e: {  	s2 =	simm.s32 $0x2;
	[bflag:$0x0] =	sbarrier.arrive $0xFFFF  }
0x3f: {  	s30 =	simm.s32 $0x3;
	[sflag:s2] =	ssyncpa.u1 $0x1  }
0x40: {  	s31 =	simm.s32 $0x1;
	[sflag:s30] =	ssyncpa.u1 $0x1  }
0x41: {  	[sflag:s31] =	ssyncpa.u1 $0x1  }
0x42: {  	p0 =	sne.s32 s1, $0x0;
	_ =	strace $0x9000004D  }
0x43: {  	s0 =	sadd.s32 @!p0 $0x100000, s0;
	[bflag:$0x2] =	sbarrier.arrive $0xFFFF  }
0x44: {  	[sflag:s0] =	ssyncadd.tile.s32 @!p0 $0x1;
	_ =	shalt  }
.Lfunc_end2:
_tile_overlayer_lowered:
.L_overlay_start_2:
0x45: {  	(tag) =	ssettag $0x2  }
0x46: {  	s0 =	rddreg [dreg:$0x0];
	s2 =	stileid.u32  }
0x47: {  	s1 =	rddreg [dreg:$0x1];
	p0 =	sne.s32 s2, $0x0  }
0x48: {  	s3 =	rddreg [dreg:$0x2];
	[bflag:$0x3] =	sbarrier.arrive $0xFFFF;
	s2 =	simm.s32 @!p0 $0x1C01  }
0x49: {  	[timem:s3], [sflag:s2] =	dma.local @!p0 [hbm:s0], s1  }
0x4a: {  	s0 =	simm.s32 @!p0 $0x1  }
0x4b: {  	_ =	swait.ge @!p0 [sflag:s0], s1  }
0x4c: {  	s1 =	ssub.s32 @!p0 $0x0, s1;
	[sflag:s0] =	ssyncset.done @!p0 $0x0  }
0x4d: {  	[sflag:s0] =	ssyncadd.s32 @!p0 s1  }
0x4e: {  	[bflag:$0x3] =	sbarrier.arrive $0xFFFF  }
0x4f: {  	_ =	shalt  }

// kernel: gather_offload_async_start
scs
__scs_entry_jumppad:
0x0: {  	(pc) =	sbr.rel $0x88, $3  }
0x1: {  	(tag) =	ssettag $0x0;
	lr =	simm.s32 $0x1  }
0x2: {  	[smem:$0x3F9C] =	sst lr;
	_ =	strace $0xD0000000  }
0x3: {  	_ = 	snop  }
0x4: {  	_ = 	snop  }
0x5: {  	_ = 	snop  }
0x6: {  	_ = 	snop  }
0x7: {  	_ = 	snop  }
__scs_overlays_trampoline_lowered:
0x8: {  	[smem:$0x3FAB] =	sst s0  }
0x9: {  	[smem:$0x3FAC] =	sst s1  }
0xa: {  	[smem:$0x3FAD] =	sst s2  }
0xb: {  	[smem:$0x3FAE] =	sst s3  }
0xc: {  	[smem:$0x3FAF] =	sst s4  }
0xd: {  	[smem:$0x3FB0] =	sst s5  }
0xe: {  	[smem:$0x3FB1] =	sst s6  }
0xf: {  	[smem:$0x3FB2] =	sst s7  }
0x10: {  	[smem:$0x3FB3] =	sst s8  }
0x11: {  	[smem:$0x3FB4] =	sst s9;
	s0 =	simm.s32 @!p0 $0x0  }
0x12: {  	s1 =	sld [smem:$0x3F9A];
	s0 =	simm.s32 @p0 $0x1  }
0x13: {  	[smem:$0x3FB5] =	sst s0;
	s0 =	simm.s32 @!p1 $0x0  }
0x14: {  	s2 =	sld [smem:$0x3F99];
	s0 =	simm.s32 @p1 $0x1  }
0x15: {  	[smem:$0x3FB6] =	sst s0;
	s0 =	simm.s32 @!p2 $0x0  }
0x16: {  	s3 =	sld [smem:$0x3FDB];
	s0 =	simm.s32 @p2 $0x1  }
0x17: {  	s4 =	simm.s32 $0x1BF5;
	[smem:$0x3FB8] =	sst s0  }
0x18: {  	s0 =	sld [smem:$0x3F9B];
	_ =	swait.ge [sflag:s4], $0x0  }
0x19: {  	s7 =	sld [smem:$0x3F9C]  }
0x1a: {  	s8 =	sadd.s32 $0xFFFFE003, lr  }
0x1b: {  	s9 =	sadd.s32 $0xFFFFFEF7, lr;
	s5 =	simm.s32 $0xFFFFFFFF;
	p2 =	slt.u32 s8, $0xFFFFF086  }
0x1c: {  	p1 =	slt.u32 s9, $0xF7A;
	s5 =	simm.s32 @!p2 $0x0  }
0x1d: {  	s5 =	simm.s32 @p1 $0x1;
	p0 =	seq.s32 s7, s2  }
0x1e: {  	s7 =	smul.u32 @!p0 $0xF7A, s2;
	p2 =	seq.s32 @!p0 s5, $0x0  }
0x1f: {  	s9 =	smul.u32 $0xF7A, s1;
	s8 =	simm.s32 @!p0 $0x1BF5;
	p2 =	por !p2, p0  }
0x20: {  	[sflag:s8] =	ssyncset.s32 @!p0 $0xFFFFF086;
	s6 =	sadd.s32 @!p0 s3, s7;
	s7 =	simm.s32 @!p0 $0x108  }
0x21: {  	s3 =	sadd.s32 s3, s9;
	s6 =	sadd.s32 @!p0 $0x88, s6;
	s7 =	simm.s32 @p2 $0x1082  }
0x22: {  	[simem:s7], [sflag:s8] =	dma.local @!p0 [hbm:s6], $0xF7A  }
0x23: {  	s9 =	sor.u32 $0xD0000000, s2;
	s6 =	simm.s32 $0x108;
	_ =	swait.ge @!p0 [sflag:s8], $0x0  }
0x24: {  	s3 =	sadd.s32 $0x88, s3;
	s6 =	simm.s32 @!p1 $0x1082;
	[sflag:s4] =	ssyncset.s32 $0xFFFFF086  }
0x25: {  	[simem:s6], [sflag:s4] =	dma.local [hbm:s3], $0xF7A  }
0x26: {  	[smem:$0x3F9C] =	sst s1;
	(tag) =	ssettag s2;
	_ =	strace s9  }
0x27: {  	s1 =	sld [smem:$0x3FAC]  }
0x28: {  	s2 =	sld [smem:$0x3FAD]  }
0x29: {  	s4 =	sld [smem:$0x3FAF]  }
0x2a: {  	p0 =	seq.s32 s5, $0x0;
	s5 =	sld [smem:$0x3FB0]  }
0x2b: {  	s6 =	sld [smem:$0x3FB1]  }
0x2c: {  	s7 =	sld [smem:$0x3FB2]  }
0x2d: {  	s3 =	simm.s32 $0x108;
	s8 =	sld [smem:$0x3FB3]  }
0x2e: {  	s3 =	simm.s32 @!p0 $0x1082;
	s9 =	sld [smem:$0x3FB4]  }
0x2f: {  	lr =	sadd.s32 s0, s3;
	s0 =	sld [smem:$0x3FAB]  }
0x30: {  	s3 =	sld [smem:$0x3FAE]  }
0x31: {  	[smem:$0x3FB7] =	sst s10  }
0x32: {  	s10 =	sld [smem:$0x3FB5];
	_ =	sdelay $0x3  }
0x33: {  	p0 =	seq.s32 s10, $0x1;
	s10 =	sld [smem:$0x3FB7];
	_ =	sdelay $0x3  }
0x34: {  	[smem:$0x3FB7] =	sst s10  }
0x35: {  	s10 =	sld [smem:$0x3FB6];
	_ =	sdelay $0x3  }
0x36: {  	p1 =	seq.s32 s10, $0x1;
	s10 =	sld [smem:$0x3FB7];
	_ =	sdelay $0x3  }
0x37: {  	[smem:$0x3FB7] =	sst s10  }
0x38: {  	s10 =	sld [smem:$0x3FB8]  }
0x39: {  	_ = 	snop;
	(pc) =	sbr.ind lr, $3  }
0x3a: {  	_ = 	snop  }
0x3b: {  	_ = 	snop  }
0x3c: {  	p2 =	seq.s32 s10, $0x1;
	s10 =	sld [smem:$0x3FB7]  }
0x3d: {  	_ =	shalt  }
0x3e: {  	_ =	shalt  }
0x3f: {  	_ =	shalt  }
0x40: {  	_ =	shalt  }
0x41: {  	_ =	shalt  }
0x42: {  	_ =	shalt  }
0x43: {  	_ =	shalt  }
0x44: {  	_ =	shalt  }
0x45: {  	_ =	shalt  }
0x46: {  	_ =	shalt  }
0x47: {  	_ =	shalt  }
0x48: {  	_ =	shalt  }
0x49: {  	_ =	shalt  }
0x4a: {  	_ =	shalt  }
0x4b: {  	_ =	shalt  }
0x4c: {  	_ =	shalt  }
0x4d: {  	_ =	shalt  }
0x4e: {  	_ =	shalt  }
0x4f: {  	_ =	shalt  }
0x50: {  	_ =	shalt  }
0x51: {  	_ =	shalt  }
0x52: {  	_ =	shalt  }
0x53: {  	_ =	shalt  }
0x54: {  	_ =	shalt  }
0x55: {  	_ =	shalt  }
0x56: {  	_ =	shalt  }
0x57: {  	_ =	shalt  }
0x58: {  	_ =	shalt  }
0x59: {  	_ =	shalt  }
0x5a: {  	_ =	shalt  }
0x5b: {  	_ =	shalt  }
0x5c: {  	_ =	shalt  }
0x5d: {  	_ =	shalt  }
0x5e: {  	_ =	shalt  }
0x5f: {  	_ =	shalt  }
0x60: {  	_ =	shalt  }
0x61: {  	_ =	shalt  }
0x62: {  	_ =	shalt  }
0x63: {  	_ =	shalt  }
0x64: {  	_ =	shalt  }
0x65: {  	_ =	shalt  }
0x66: {  	_ =	shalt  }
0x67: {  	_ =	shalt  }
0x68: {  	_ =	shalt  }
0x69: {  	_ =	shalt  }
0x6a: {  	_ =	shalt  }
0x6b: {  	_ =	shalt  }
0x6c: {  	_ =	shalt  }
0x6d: {  	_ =	shalt  }
0x6e: {  	_ =	shalt  }
0x6f: {  	_ =	shalt  }
0x70: {  	_ =	shalt  }
0x71: {  	_ =	shalt  }
0x72: {  	_ =	shalt  }
0x73: {  	_ =	shalt  }
0x74: {  	_ =	shalt  }
0x75: {  	_ =	shalt  }
0x76: {  	_ =	shalt  }
0x77: {  	_ =	shalt  }
0x78: {  	_ =	shalt  }
0x79: {  	_ =	shalt  }
0x7a: {  	_ =	shalt  }
0x7b: {  	_ =	shalt  }
0x7c: {  	_ =	shalt  }
0x7d: {  	_ =	shalt  }
0x7e: {  	_ =	shalt  }
0x7f: {  	_ =	shalt  }
0x80: {  	_ =	shalt  }
0x81: {  	_ =	shalt  }
0x82: {  	_ =	shalt  }
0x83: {  	_ =	shalt  }
0x84: {  	_ =	shalt  }
0x85: {  	_ =	shalt  }
0x86: {  	_ =	shalt  }
0x87: {  	_ =	shalt  }
.Lfunc_end0:
.L_simem_size_0:
called_computation.2_lowered:
.L_overlay_start_0:
0x88: {  	s2 =	sld [smem:$0x3FD9]  }
0x89: {  	s3 =	sld [smem:$0x3FFE];
	_ =	sdelay $0x1  }
0x8a: {  	s1 =	srdreg.scid  }
0x8b: {  	s0 =	sand.u32 $0x1, s1  }
0x8c: {  	s17 =	sshll.u32 s0, $0xA;
	s2 =	sadd.s32 s3, s2  }
0x8d: {  	s2 =	sadd.s32 s2, s17  }
0x8e: {  	[smem:$0x3FC3] =	sst s2  }
0x8f: {  	_ = 	snop  }
0x90: {  	s18 =	sld [smem:$0x3FD0];
	(tm) =	ssettm $0x1  }
0x91: {  	s19 =	sld [smem:$0x3FFB];
	_ =	sdelay $0x3  }
0x92: {  	_ =	strace s19  }
0x93: {  	s2 =	sld [smem:$0x3FFC];
	_ =	sdelay $0x3  }
0x94: {  	_ =	strace s2  }
0x95: {  	s2 =	sld [smem:$0x3FFD];
	_ =	sdelay $0x3  }
0x96: {  	_ =	strace s2  }
0x97: {  	_ =	strace $0x8FFFFFFF  }
0x98: {  	s20 =	sld [smem:$0x3FDB];
	_ =	sdelay $0x1  }
0x99: {  	s4 =	simm.s32 $_scs_section_size  }
0x9a: {  	s5 =	simm.s32 $_size__tile_overlayer_lowered;
	s6 =	simm.s32 $_tile_overlayer_lowered  }
0x9b: {  	s7 =	simm.s32 $0x1BFF;
	s21 =	sshll.u32 s6, $0x1;
	s4 =	sadd.s32 s4, s20  }
0x9c: {  	s22 =	simm.s32 $0x0;
	s5 =	sshll.u32 s5, $0x1;
	s6 =	sadd.s32 s21, s4  }
0x9d: {  	[timem:s22], [sflag:s7] =	dma.local [hbm:s6], s5  }
0x9e: {  	_ =	swait.ge [sflag:s7], s5  }
0x9f: {  	s5 =	ssub.s32 $0x0, s5;
	[sflag:s7] =	ssyncset.done $0x0  }
0xa0: {  	[sflag:s7] =	ssyncadd.s32 s5;
	_ =	sdelay $0x1  }
0xa1: {  	s23 =	simm.s32 $0x1B8B  }
0xa2: {  	_ =	swait.ge [sflag:s23], $0x1  }
0xa3: {  	[sflag:s23] =	ssyncset.done $0x0  }
0xa4: {  	[sflag:s23] =	ssyncadd.s32 $0xFFFFFFFF  }
0xa5: {  	s5 =	sld [smem:$0x0]  }
0xa6: {  	s6 =	sand.u32 $0xFFFFFFFE, s1  }
0xa7: {  	p0 =	sne.s32 s1, s6  }
0xa8: {  	s6 =	sshll.u32 @p0 s6, $0xE  }
0xa9: {  	s6 =	sadd.s32 @p0 $0x11B8D, s6;
	s7 =	sshll.u32 @p0 s5, $0x11  }
0xaa: {  	s6 =	sor.u32 @p0 s7, s6  }
0xab: {  	[sflag:s6] =	ssyncadd.remote.s32 @p0 $0x1;
	_ =	sdelay $0x1  }
0xac: {  	s6 =	simm.s32 @p0 $0x1B8D  }
0xad: {  	_ =	swait.eq @p0 [sflag:s6], $0x1  }
0xae: {  	[sflag:s6] =	ssyncadd.s32 @p0 $0xFFFFFFFF  }
0xaf: {  	s7 =	sshll.u32 @!p0 s1, $0xE  }
0xb0: {  	s7 =	sor.u32 @!p0 $0x4000, s7;
	s6 =	simm.s32 @!p0 $0x1B8D  }
0xb1: {  	s5 =	sshll.u32 @!p0 s5, $0x11;
	s7 =	sadd.s32 @!p0 $0x11B8D, s7;
	_ =	swait.eq @!p0 [sflag:s6], $0x1  }
0xb2: {  	s5 =	sor.u32 @!p0 s5, s7;
	[sflag:s6] =	ssyncadd.s32 @!p0 $0xFFFFFFFF  }
0xb3: {  	s25 =	simm.s32 $0x1B8E;
	s24 =	sld [smem:$0x3FFE];
	[sflag:s5] =	ssyncadd.remote.s32 @!p0 $0x1  }
0xb4: {  	s26 =	simm.s32 $execute0_lowered;
	[smem:$0x3FD2] =	sst s25  }
0xb5: {  	s6 =	sshll.u32 s26, $0x1;
	_ =	strace $0x8000004F;
	[dreg:$0x1] =	wrdreg $0xFFFFFFFF  }
0xb6: {  	s28 =	simm.s32 $_size_execute0_lowered;
	s4 =	sadd.s32 s4, s6;
	[dreg:$0x0] =	wrdreg $0x0  }
0xb7: {  	s6 =	sshll.u32 s28, $0x1;
	[dreg:$0x2] =	wrdreg s4  }
0xb8: {  	[dreg:$0x3] =	wrdreg s6  }
0xb9: {  	[dreg:$0x4] =	wrdreg $0xC0  }
0xba: {  	_ =	task [dreg:s22], $0x5FFFF  }
0xbb: {  	[dreg:$0x1] =	wrdreg $0xFFFFFFFF  }
0xbc: {  	[dreg:$0x0] =	wrdreg $0x60  }
0xbd: {  	[dreg:$0x2] =	wrdreg s24  }
0xbe: {  	[dreg:$0x3] =	wrdreg s18  }
0xbf: {  	[dreg:$0x4] =	wrdreg $0x9  }
0xc0: {  	_ =	task.clear_ibuf [dreg:s22], $0x5FFFF;
	_ =	strace $0x9000004F  }
0xc1: {  	s29 =	simm.s32 $0x9;
	_ =	strace $0x80000051  }
0xc2: {  	_ =	swait.ge [sflag:s29], $0x1  }
0xc3: {  	[sflag:s29] =	ssyncadd.s32 $0xFFFFFFFF  }
0xc4: {  	_ =	strace $0x90000051  }
0xc5: {  	_ =	sfence  }
0xc6: {  	s30 =	sld [smem:$0x0];
	_ =	sdelay $0x2  }
0xc7: {  	s31 =	sshll.u32 s1, $0xD;
	s1 =	sshrl.u32 s1, $0x2  }
0xc8: {  	s4 =	sand.u32 $0x4000, s31;
	s1 =	sadd.s32 s1, s30  }
0xc9: {  	s0 =	sor.u32 s4, s0;
	s1 =	sshll.u32 s1, $0x11  }
0xca: {  	s0 =	sor.u32 s1, s0  }
0xcb: {  	s0 =	sadd.s32 $0x8F2B, s0  }
0xcc: {  	[sflag:s0] =	ssyncadd.remote.s32 $0x1  }
0xcd: {  	_ =	sfence.sel $0xFFFF  }
0xce: {  	[dreg:$0x0] =	wrdreg $0xFFFFFFFF;
	(pc) =	sbr.abs _section_cstart, $3  }
0xcf: {  	[dreg:$0x1] =	wrdreg $0xFFFFFFFF  }
0xd0: {  	_ =	task.clear_ibuf [dreg:s22], $0x2FFFF;
	_ =	strace $0x9FFFFFFF  }
0xd1: {  	(tm) =	ssettm $0x7FFFFFFF  }
tec
execute0_lowered:
.L_overlay_start_1:
0x0: {  	(tag) =	ssettag $0x1  }
0x1: {  	s7 =	rddreg [dreg:$0x0]  }
0x2: {  	s0 =	srdreg.scid;
	s2 =	rddreg [dreg:$0x1]  }
0x3: {  	s1 =	stileid.u32;
	s5 =	simm.s32 $0x2;
	s9 =	simm.s32 $0x3  }
0x4: {  	s3 =	sshll.u32 s0, $0x4;
	s0 =	rddreg [dreg:$0x2];
	_ =	strace $0x80000050  }
.Ltmp0:
0x5: {  	s4 =	sand.u32 $0x10, s3;
	s3 =	simm.s32 $0x1;
	(pc) =	sbr.rel .LBB2_1-.Ltmp0, $4  }
0x6: {  	s11 =	simm.s32 $0x0;
	s4 =	sor.u32 s1, s4;
	[sflag:s3] =	ssyncpa.u1 $0x0  }
0x7: {  	p0 =	por $0x0, $0x0;
	s4 =	smul.u32 $0x1880, s4;
	[sflag:s5] =	ssyncpa.u1 $0x0  }
0x8: {  	s6 =	sadd.s32 $0x1200, s7;
	s7 =	sadd.s32 $0x62D600, s7;
	[sflag:s9] =	ssyncpa.u1 $0x0  }
0x9: {  	vm0 =	vmmov $0xff;
	vm1 =	vcmask $0x3F20;
	s9 =	simm.s32 $0x0;
	s8 =	sadd.s32 $0x1880, s4;
	s10 =	smov.u32 s4  }
.LBB2_8:
0xa: {  	[hbm:s15] =	stream.linear.scatter [tilespmem:s12], [sflag:$0x3], $0x800, $0x38;
	[tilespmem:$0x1C1C0] =	vst v63  }
.LBB2_9:
0xb: {  	p1 =	slt.u32 s9, $0x2;
	s11 =	sadd.s32 $0xE0, s10  }
0xc: {  	s13 =	smov.u32 s4;
	s9 =	sadd.s32 $0x1, s9;
	p2 =	slt.s32 s11, s8  }
0xd: {  	s13 =	smov.u32 @p2 s11;
	p2 =	sne.s32 s9, $0x1E  }
.Ltmp1:
0xe: {  	_ = 	snop;
	(pc) =	sbr.rel @!p2 .LBB2_10-.Ltmp1, $4  }
0xf: {  	s12 =	simm.s32 @!p1 $0x3  }
0x10: {  	_ =	swait.ge @!p1 [sflag:s12], $0xE000  }
0x11: {  	p0 =	por !p0, !p0;
	[sflag:s12] =	ssyncset.done @!p1 $0x0  }
0x12: {  	s11 =	smov.u32 s10;
	s10 =	smov.u32 s13;
	[sflag:s12] =	ssyncadd.s32 @!p1 $0xFFFF2000  }
.LBB2_1:
0x13: {  	p1 =	sgt.u32 s9, $0x1B  }
0x14: {  	s12 =	sxor.u32 @!p1 $0xFFFFFFFF, s9  }
0x15: {  	s12 =	sand.u32 @!p1 $0x1, s12  }
0x16: {  	s12 =	smul.u32 @!p1 $0x380, s12  }
0x17: {  	s31 =	sadd.s32 $0xFFFFFFFF, s9;
	s13 =	sshrl.u32 @!p1 s10, $0x3  }
0x18: {  	s14 =	sand.u32 @!p1 $0x7, s10;
	s13 =	sadd.s32 @!p1 s2, s13;
	s12 =	sshrl.u32 @!p1 s12, $0x2  }
0x19: {  	[tilespmem:s12], [sflag:$0x2] =	stream.linear.gather @!p1 [hbm4b:s13+s14], $0xE0, $0x38;
	[tilespmem:$0x1C1C0] =	vst v63  }
0x1a: {  	p1 =	sgt.u32 s31, $0x1B  }
.Ltmp2:
0x1b: {  	_ = 	snop;
	(pc) =	sbr.rel @p1 .LBB2_9-.Ltmp2, $1  }
0x1c: {  	_ =	sdelay $0x3  }
0x1d: {  	s12 =	simm.s32 $0x1;
	s13 =	sand.u32 $0x1, s9  }
0x1e: {  	s12 =	simm.s32 @!p0 $0x0;
	s14 =	smul.u32 $0x38000, s13  }
0x1f: {  	_ =	swait.ge [sflag:s5], $0xE0;
	s12 =	smul.u32 $0x38000, s12  }
0x20: {  	s15 =	simm.s32 $0x0;
	[sflag:s5] =	ssyncset.done $0x0;
	s13 =	smul.u32 $0x380, s13  }
0x21: {  	[sflag:s5] =	ssyncadd.s32 $0xFFFFFF20;
	s14 =	sshrl.u32 s14, $0x2;
	s12 =	sshrl.u32 s12, $0x2  }
0x22: {  	s13 =	sshrl.u32 s13, $0x2;
	s14 =	sor.u32 $0x1C0, s14;
	s12 =	sor.u32 $0x1C0, s12  }
.LBB2_3:
0x23: {  	s16 =	sshll.u32 s15, $0x4  }
0x24: {  	s16 =	sand.u32 $0x3FFFFFF0, s16  }
0x25: {  	s16 =	sadd.s32 s16, s13  }
0x26: {  	v0 =	vld.msk [tilespmem:s16+$0x0 ss:$0x1], $0xffff;
	_ =	sdelay $0x4  }
0x27: {  	vm2 =	vgt.s32 v0, $0x0  }
0x28: {  	v0 =	vnsel vm2, $0x0, v0  }
0x29: {  	v0 =	vmin.u32 v0, $0x30FFF  }
0x2a: {  	s31 =	sshll.u32 s15, $0xC;
	v1 =	vshll.u32 v0, $0x5;
	v0 =	vshll.u32 v0, $0x4  }
0x2b: {  	s16 =	sand.u32 $0x3FFFF000, s31;
	v1 =	vand.u32 $0x7FFF00, v1;
	v0 =	vand.u32 $0x70, v0  }
0x2c: {  	p1 =	por $0x1, $0x1;
	s17 =	simm.s32 $0x0;
	s16 =	sadd.s32 s16, s14;
	v0 =	vor.u32 v0, v1  }
.LBB2_4:
0x2d: {  	_ =	sdelay $0x1  }
0x2e: {  	s17 =	sshra.s32 s17, $0x2;
	p2 =	por p1, p1  }
.Ltmp3:
0x2f: {  	s17 =	sadd.s32 s17, s16;
	(pc) =	sbr.rel @p2 .LBB2_4-.Ltmp3, $4  }
0x30: {  	[tilespmem:s17], [sflag:$0x1] =	stream.indirect_vreg.gather [hbm:s6], $0x80, v0, vm0, $0x38;
	[tilespmem:$0x1C1C0] =	vst v63  }
0x31: {  	s17 =	sadd.s32 $0x800, s17  }
0x32: {  	[tilespmem:s17], [sflag:$0x1] =	stream.indirect_vreg.gather [hbm:s6], $0x80, v0, vm1, $0x38;
	[tilespmem:$0x1C1C0] =	vst v63  }
0x33: {  	p1 =	por $0x0, $0x0;
	v0 =	vadd.s32 $0x80, v0;
	s17 =	simm.s32 $0x1000  }
0x34: {  	s15 =	sadd.s32 $0x1, s15  }
0x35: {  	p1 =	sne.s32 s15, $0xE  }
.Ltmp4:
0x36: {  	_ = 	snop;
	(pc) =	sbr.rel @p1 .LBB2_3-.Ltmp4, $1  }
0x37: {  	_ =	sdelay $0x3  }
0x38: {  	s13 =	sshll.u32 s11, $0x5  }
0x39: {  	s31 =	sshll.u32 s11, $0x4;
	s13 =	sand.u32 $0xFFFFFF00, s13  }
0x3a: {  	_ =	swait.ge [sflag:s3], $0xE000;
	s11 =	sand.u32 $0x70, s31;
	s13 =	sadd.s32 s13, s7  }
0x3b: {  	s14 =	sadd.s32 $0x800, s12;
	[sflag:s3] =	ssyncset.done $0x0;
	s11 =	sadd.s32 s11, s13  }
0x3c: {  	[sflag:s3] =	ssyncadd.s32 $0xFFFF2000;
	s13 =	simm.s32 $0x100;
	s15 =	sadd.s32 $0x0, s11  }
.LBB2_7:
0x3d: {  	[hbm:s15] =	stream.linear.scatter [tilespmem:s12], [sflag:$0x3], $0x800, $0x38;
	[tilespmem:$0x1C1C0] =	vst v63  }
0x3e: {  	s15 =	smov.u32 s13;
	s12 =	smov.u32 s14;
	p1 =	sne.s32 s13, $0x1B00  }
.Ltmp5:
0x3f: {  	s13 =	sadd.s32 $0x100, s13;
	(pc) =	sbr.rel @p1 .LBB2_7-.Ltmp5, $2  }
0x40: {  	_ =	sdelay $0x2  }
0x41: {  	s14 =	sadd.s32 $0x800, s14;
	s15 =	sadd.s32 s15, s11  }
.Ltmp6:
0x42: {  	_ = 	snop;
	(pc) =	sbr.rel .LBB2_8-.Ltmp6, $1  }
0x43: {  	_ =	sdelay $0x3  }
.LBB2_10:
0x44: {  	_ =	sfence.sel $0x180000  }
0x45: {  	s2 =	simm.s32 $0x2;
	[bflag:$0x0] =	sbarrier.arrive $0xFFFF  }
0x46: {  	s30 =	simm.s32 $0x3;
	[sflag:s2] =	ssyncpa.u1 $0x1  }
0x47: {  	s31 =	simm.s32 $0x1;
	[sflag:s30] =	ssyncpa.u1 $0x1  }
0x48: {  	[sflag:s31] =	ssyncpa.u1 $0x1  }
0x49: {  	p0 =	sne.s32 s1, $0x0;
	_ =	strace $0x90000050  }
0x4a: {  	s0 =	sadd.s32 @!p0 $0x100000, s0;
	[bflag:$0x2] =	sbarrier.arrive $0xFFFF  }
0x4b: {  	[sflag:s0] =	ssyncadd.tile.s32 @!p0 $0x1;
	_ =	shalt  }
.Lfunc_end2:
_tile_overlayer_lowered:
.L_overlay_start_2:
0x4c: {  	(tag) =	ssettag $0x2  }
0x4d: {  	s0 =	rddreg [dreg:$0x0];
	s2 =	stileid.u32  }
0x4e: {  	s1 =	rddreg [dreg:$0x1];
	p0 =	sne.s32 s2, $0x0  }
0x4f: {  	s3 =	rddreg [dreg:$0x2];
	[bflag:$0x3] =	sbarrier.arrive $0xFFFF;
	s2 =	simm.s32 @!p0 $0x1C01  }
0x50: {  	[timem:s3], [sflag:s2] =	dma.local @!p0 [hbm:s0], s1  }
0x51: {  	s0 =	simm.s32 @!p0 $0x1  }
0x52: {  	_ =	swait.ge @!p0 [sflag:s0], s1  }
0x53: {  	s1 =	ssub.s32 @!p0 $0x0, s1;
	[sflag:s0] =	ssyncset.done @!p0 $0x0  }
0x54: {  	[sflag:s0] =	ssyncadd.s32 @!p0 s1  }
0x55: {  	[bflag:$0x3] =	sbarrier.arrive $0xFFFF  }
0x56: {  	_ =	shalt  }

// kernel: kernel.4.cloned.1.call-start
scs
__scs_entry_jumppad:
0x0: {  	(pc) =	sbr.rel $0x88, $3  }
0x1: {  	(tag) =	ssettag $0x0;
	lr =	simm.s32 $0x1  }
0x2: {  	[smem:$0x3F9C] =	sst lr;
	_ =	strace $0xD0000000  }
0x3: {  	_ = 	snop  }
0x4: {  	_ = 	snop  }
0x5: {  	_ = 	snop  }
0x6: {  	_ = 	snop  }
0x7: {  	_ = 	snop  }
__scs_overlays_trampoline_lowered:
0x8: {  	[smem:$0x3FAB] =	sst s0  }
0x9: {  	[smem:$0x3FAC] =	sst s1  }
0xa: {  	[smem:$0x3FAD] =	sst s2  }
0xb: {  	[smem:$0x3FAE] =	sst s3  }
0xc: {  	[smem:$0x3FAF] =	sst s4  }
0xd: {  	[smem:$0x3FB0] =	sst s5  }
0xe: {  	[smem:$0x3FB1] =	sst s6  }
0xf: {  	[smem:$0x3FB2] =	sst s7  }
0x10: {  	[smem:$0x3FB3] =	sst s8  }
0x11: {  	[smem:$0x3FB4] =	sst s9;
	s0 =	simm.s32 @!p0 $0x0  }
0x12: {  	s1 =	sld [smem:$0x3F9A];
	s0 =	simm.s32 @p0 $0x1  }
0x13: {  	[smem:$0x3FB5] =	sst s0;
	s0 =	simm.s32 @!p1 $0x0  }
0x14: {  	s2 =	sld [smem:$0x3F99];
	s0 =	simm.s32 @p1 $0x1  }
0x15: {  	[smem:$0x3FB6] =	sst s0;
	s0 =	simm.s32 @!p2 $0x0  }
0x16: {  	s3 =	sld [smem:$0x3FDB];
	s0 =	simm.s32 @p2 $0x1  }
0x17: {  	s4 =	simm.s32 $0x1BF5;
	[smem:$0x3FB8] =	sst s0  }
0x18: {  	s0 =	sld [smem:$0x3F9B];
	_ =	swait.ge [sflag:s4], $0x0  }
0x19: {  	s7 =	sld [smem:$0x3F9C]  }
0x1a: {  	s8 =	sadd.s32 $0xFFFFE003, lr  }
0x1b: {  	s9 =	sadd.s32 $0xFFFFFEF7, lr;
	s5 =	simm.s32 $0xFFFFFFFF;
	p2 =	slt.u32 s8, $0xFFFFF086  }
0x1c: {  	p1 =	slt.u32 s9, $0xF7A;
	s5 =	simm.s32 @!p2 $0x0  }
0x1d: {  	s5 =	simm.s32 @p1 $0x1;
	p0 =	seq.s32 s7, s2  }
0x1e: {  	s7 =	smul.u32 @!p0 $0xF7A, s2;
	p2 =	seq.s32 @!p0 s5, $0x0  }
0x1f: {  	s9 =	smul.u32 $0xF7A, s1;
	s8 =	simm.s32 @!p0 $0x1BF5;
	p2 =	por !p2, p0  }
0x20: {  	[sflag:s8] =	ssyncset.s32 @!p0 $0xFFFFF086;
	s6 =	sadd.s32 @!p0 s3, s7;
	s7 =	simm.s32 @!p0 $0x108  }
0x21: {  	s3 =	sadd.s32 s3, s9;
	s6 =	sadd.s32 @!p0 $0x88, s6;
	s7 =	simm.s32 @p2 $0x1082  }
0x22: {  	[simem:s7], [sflag:s8] =	dma.local @!p0 [hbm:s6], $0xF7A  }
0x23: {  	s9 =	sor.u32 $0xD0000000, s2;
	s6 =	simm.s32 $0x108;
	_ =	swait.ge @!p0 [sflag:s8], $0x0  }
0x24: {  	s3 =	sadd.s32 $0x88, s3;
	s6 =	simm.s32 @!p1 $0x1082;
	[sflag:s4] =	ssyncset.s32 $0xFFFFF086  }
0x25: {  	[simem:s6], [sflag:s4] =	dma.local [hbm:s3], $0xF7A  }
0x26: {  	[smem:$0x3F9C] =	sst s1;
	(tag) =	ssettag s2;
	_ =	strace s9  }
0x27: {  	s1 =	sld [smem:$0x3FAC]  }
0x28: {  	s2 =	sld [smem:$0x3FAD]  }
0x29: {  	s4 =	sld [smem:$0x3FAF]  }
0x2a: {  	p0 =	seq.s32 s5, $0x0;
	s5 =	sld [smem:$0x3FB0]  }
0x2b: {  	s6 =	sld [smem:$0x3FB1]  }
0x2c: {  	s7 =	sld [smem:$0x3FB2]  }
0x2d: {  	s3 =	simm.s32 $0x108;
	s8 =	sld [smem:$0x3FB3]  }
0x2e: {  	s3 =	simm.s32 @!p0 $0x1082;
	s9 =	sld [smem:$0x3FB4]  }
0x2f: {  	lr =	sadd.s32 s0, s3;
	s0 =	sld [smem:$0x3FAB]  }
0x30: {  	s3 =	sld [smem:$0x3FAE]  }
0x31: {  	[smem:$0x3FB7] =	sst s10  }
0x32: {  	s10 =	sld [smem:$0x3FB5];
	_ =	sdelay $0x3  }
0x33: {  	p0 =	seq.s32 s10, $0x1;
	s10 =	sld [smem:$0x3FB7];
	_ =	sdelay $0x3  }
0x34: {  	[smem:$0x3FB7] =	sst s10  }
0x35: {  	s10 =	sld [smem:$0x3FB6];
	_ =	sdelay $0x3  }
0x36: {  	p1 =	seq.s32 s10, $0x1;
	s10 =	sld [smem:$0x3FB7];
	_ =	sdelay $0x3  }
0x37: {  	[smem:$0x3FB7] =	sst s10  }
0x38: {  	s10 =	sld [smem:$0x3FB8]  }
0x39: {  	_ = 	snop;
	(pc) =	sbr.ind lr, $3  }
0x3a: {  	_ = 	snop  }
0x3b: {  	_ = 	snop  }
0x3c: {  	p2 =	seq.s32 s10, $0x1;
	s10 =	sld [smem:$0x3FB7]  }
0x3d: {  	_ =	shalt  }
0x3e: {  	_ =	shalt  }
0x3f: {  	_ =	shalt  }
0x40: {  	_ =	shalt  }
0x41: {  	_ =	shalt  }
0x42: {  	_ =	shalt  }
0x43: {  	_ =	shalt  }
0x44: {  	_ =	shalt  }
0x45: {  	_ =	shalt  }
0x46: {  	_ =	shalt  }
0x47: {  	_ =	shalt  }
0x48: {  	_ =	shalt  }
0x49: {  	_ =	shalt  }
0x4a: {  	_ =	shalt  }
0x4b: {  	_ =	shalt  }
0x4c: {  	_ =	shalt  }
0x4d: {  	_ =	shalt  }
0x4e: {  	_ =	shalt  }
0x4f: {  	_ =	shalt  }
0x50: {  	_ =	shalt  }
0x51: {  	_ =	shalt  }
0x52: {  	_ =	shalt  }
0x53: {  	_ =	shalt  }
0x54: {  	_ =	shalt  }
0x55: {  	_ =	shalt  }
0x56: {  	_ =	shalt  }
0x57: {  	_ =	shalt  }
0x58: {  	_ =	shalt  }
0x59: {  	_ =	shalt  }
0x5a: {  	_ =	shalt  }
0x5b: {  	_ =	shalt  }
0x5c: {  	_ =	shalt  }
0x5d: {  	_ =	shalt  }
0x5e: {  	_ =	shalt  }
0x5f: {  	_ =	shalt  }
0x60: {  	_ =	shalt  }
0x61: {  	_ =	shalt  }
0x62: {  	_ =	shalt  }
0x63: {  	_ =	shalt  }
0x64: {  	_ =	shalt  }
0x65: {  	_ =	shalt  }
0x66: {  	_ =	shalt  }
0x67: {  	_ =	shalt  }
0x68: {  	_ =	shalt  }
0x69: {  	_ =	shalt  }
0x6a: {  	_ =	shalt  }
0x6b: {  	_ =	shalt  }
0x6c: {  	_ =	shalt  }
0x6d: {  	_ =	shalt  }
0x6e: {  	_ =	shalt  }
0x6f: {  	_ =	shalt  }
0x70: {  	_ =	shalt  }
0x71: {  	_ =	shalt  }
0x72: {  	_ =	shalt  }
0x73: {  	_ =	shalt  }
0x74: {  	_ =	shalt  }
0x75: {  	_ =	shalt  }
0x76: {  	_ =	shalt  }
0x77: {  	_ =	shalt  }
0x78: {  	_ =	shalt  }
0x79: {  	_ =	shalt  }
0x7a: {  	_ =	shalt  }
0x7b: {  	_ =	shalt  }
0x7c: {  	_ =	shalt  }
0x7d: {  	_ =	shalt  }
0x7e: {  	_ =	shalt  }
0x7f: {  	_ =	shalt  }
0x80: {  	_ =	shalt  }
0x81: {  	_ =	shalt  }
0x82: {  	_ =	shalt  }
0x83: {  	_ =	shalt  }
0x84: {  	_ =	shalt  }
0x85: {  	_ =	shalt  }
0x86: {  	_ =	shalt  }
0x87: {  	_ =	shalt  }
.Lfunc_end0:
.L_simem_size_0:
called_computation.4_lowered:
.L_overlay_start_0:
0x88: {  	s2 =	sld [smem:$0x3FD9]  }
0x89: {  	s3 =	sld [smem:$0x3FFE];
	_ =	sdelay $0x1  }
0x8a: {  	s1 =	srdreg.scid  }
0x8b: {  	s0 =	sand.u32 $0x1, s1  }
0x8c: {  	s16 =	sshll.u32 s0, $0xA;
	s2 =	sadd.s32 s3, s2  }
0x8d: {  	s2 =	sadd.s32 s2, s16  }
0x8e: {  	[smem:$0x3FC3] =	sst s2  }
0x8f: {  	_ = 	snop  }
0x90: {  	(tm) =	ssettm $0x1  }
0x91: {  	s17 =	sld [smem:$0x3FFB];
	_ =	sdelay $0x3  }
0x92: {  	_ =	strace s17  }
0x93: {  	s2 =	sld [smem:$0x3FFC];
	_ =	sdelay $0x3  }
0x94: {  	_ =	strace s2  }
0x95: {  	s2 =	sld [smem:$0x3FFD];
	_ =	sdelay $0x3  }
0x96: {  	_ =	strace s2  }
0x97: {  	_ =	strace $0x8FFFFFFF  }
0x98: {  	s18 =	sld [smem:$0x3FDB];
	_ =	sdelay $0x1  }
0x99: {  	s19 =	simm.s32 $_scs_section_size  }
0x9a: {  	s4 =	simm.s32 $_size__tile_overlayer_lowered;
	s5 =	simm.s32 $_tile_overlayer_lowered  }
0x9b: {  	s22 =	simm.s32 $0x1BFF;
	s21 =	sshll.u32 s5, $0x1;
	s2 =	sadd.s32 s19, s18  }
0x9c: {  	s6 =	simm.s32 $0x0;
	s20 =	sshll.u32 s4, $0x1;
	s4 =	sadd.s32 s21, s2  }
0x9d: {  	[timem:s6], [sflag:s22] =	dma.local [hbm:s4], s20  }
0x9e: {  	_ =	swait.ge [sflag:s22], s20  }
0x9f: {  	s3 =	ssub.s32 $0x0, s20;
	[sflag:s22] =	ssyncset.done $0x0  }
0xa0: {  	[sflag:s22] =	ssyncadd.s32 s3;
	_ =	sdelay $0x1  }
0xa1: {  	s23 =	simm.s32 $0x1B8B  }
0xa2: {  	_ =	swait.ge [sflag:s23], $0x1  }
0xa3: {  	[sflag:s23] =	ssyncset.done $0x0  }
0xa4: {  	s25 =	simm.s32 $0x1B8E;
	s24 =	sld [smem:$0x3FFE];
	[sflag:s23] =	ssyncadd.s32 $0xFFFFFFFF  }
0xa5: {  	s26 =	simm.s32 $execute0_lowered;
	[smem:$0x3FD2] =	sst s25  }
0xa6: {  	s4 =	sshll.u32 s26, $0x1;
	_ =	strace $0x80000049;
	[dreg:$0x1] =	wrdreg $0xFFFFFFFF  }
0xa7: {  	s28 =	simm.s32 $_size_execute0_lowered;
	s2 =	sadd.s32 s2, s4;
	[dreg:$0x0] =	wrdreg $0x0  }
0xa8: {  	s4 =	sshll.u32 s28, $0x1;
	[dreg:$0x2] =	wrdreg s2  }
0xa9: {  	[dreg:$0x3] =	wrdreg s4  }
0xaa: {  	[dreg:$0x4] =	wrdreg $0xC0  }
0xab: {  	_ =	task [dreg:s6], $0x5FFFF  }
0xac: {  	[dreg:$0x1] =	wrdreg $0xFFFFFFFF  }
0xad: {  	[dreg:$0x0] =	wrdreg $0x60  }
0xae: {  	[dreg:$0x2] =	wrdreg s24  }
0xaf: {  	[dreg:$0x3] =	wrdreg $0x9  }
0xb0: {  	_ =	task.clear_ibuf [dreg:s6], $0x4FFFF;
	_ =	strace $0x90000049  }
0xb1: {  	s29 =	simm.s32 $0x9;
	_ =	strace $0x8000004B  }
0xb2: {  	_ =	swait.ge [sflag:s29], $0x1  }
0xb3: {  	[sflag:s29] =	ssyncadd.s32 $0xFFFFFFFF  }
0xb4: {  	_ =	strace $0x9000004B  }
0xb5: {  	_ =	sfence  }
0xb6: {  	s30 =	sld [smem:$0x0];
	_ =	sdelay $0x2  }
0xb7: {  	s31 =	sshll.u32 s1, $0xD;
	s1 =	sshrl.u32 s1, $0x2  }
0xb8: {  	s3 =	sand.u32 $0x4000, s31;
	s1 =	sadd.s32 s1, s30  }
0xb9: {  	s0 =	sor.u32 s3, s0;
	s1 =	sshll.u32 s1, $0x11  }
0xba: {  	s0 =	sor.u32 s1, s0  }
0xbb: {  	s0 =	sadd.s32 $0x8F2B, s0  }
0xbc: {  	[sflag:s0] =	ssyncadd.remote.s32 $0x1  }
0xbd: {  	_ =	sfence.sel $0xFFFF  }
0xbe: {  	[dreg:$0x0] =	wrdreg $0xFFFFFFFF;
	(pc) =	sbr.abs _section_cstart, $3  }
0xbf: {  	[dreg:$0x1] =	wrdreg $0xFFFFFFFF  }
0xc0: {  	_ =	task.clear_ibuf [dreg:s6], $0x2FFFF;
	_ =	strace $0x9FFFFFFF  }
0xc1: {  	(tm) =	ssettm $0x7FFFFFFF  }
tec
execute0_lowered:
.L_overlay_start_1:
0x0: {  	(tag) =	ssettag $0x1  }
0x1: {  	s0 =	stileid.u32  }
0x2: {  	s1 =	srdreg.scid;
	s4 =	rddreg [dreg:$0x0];
	s2 =	simm.s32 $0x0  }
0x3: {  	s6 =	simm.s32 $0x900;
	s16 =	simm.s32 $0x1100;
	s17 =	simm.s32 $0x1900  }
0x4: {  	s19 =	simm.s32 $0x2100;
	s20 =	simm.s32 $0x2900;
	s21 =	simm.s32 $0x3100  }
0x5: {  	s22 =	simm.s32 $0x3900;
	s24 =	simm.s32 $0x4100;
	[smem:$0x7FF] =	sst s2  }
0x6: {  	s25 =	simm.s32 $0x4900;
	_ =	strace $0x8000004A;
	[dreg:$0x3] =	wrdreg s6  }
0x7: {  	s26 =	simm.s32 $0x5100;
	s31 =	simm.s32 $0x5900;
	[dreg:$0x4] =	wrdreg s16  }
0x8: {  	s8 =	simm.s32 $0x6100;
	s9 =	simm.s32 $0x6900;
	[dreg:$0x5] =	wrdreg s17  }
0x9: {  	s10 =	simm.s32 $0x7100;
	s11 =	simm.s32 $0x7900;
	[dreg:$0x6] =	wrdreg s19  }
0xa: {  	s12 =	simm.s32 $0x8100;
	s13 =	simm.s32 $0x8900;
	[dreg:$0x7] =	wrdreg s20  }
0xb: {  	s14 =	simm.s32 $0x9100;
	s28 =	simm.s32 $0xF900;
	[dreg:$0x8] =	wrdreg s21  }
0xc: {  	s29 =	simm.s32 $0x1;
	s3 =	smul.u32 $0x640, s0;
	[dreg:$0x9] =	wrdreg s22  }
0xd: {  	s1 =	sand.u32 $0x1, s1;
	s15 =	smul.u32 $0x64000, s0;
	[dreg:$0xa] =	wrdreg s24  }
0xe: {  	s30 =	simm.s32 $0x0;
	s5 =	smul.u32 $0x320, s1;
	[dreg:$0xb] =	wrdreg s25  }
0xf: {  	s18 =	ssub.s32 $0x2, s1;
	s1 =	smul.u32 $0x32000, s1;
	[dreg:$0xc] =	wrdreg s26  }
0x10: {  	[dreg:$0xd] =	wrdreg s31;
	s16 =	simm.s32 $0xA100;
	s17 =	simm.s32 $0xA900  }
0x11: {  	s19 =	simm.s32 $0xB900;
	s20 =	simm.s32 $0xC100;
	s21 =	simm.s32 $0xC900  }
0x12: {  	s22 =	simm.s32 $0xD100;
	s24 =	simm.s32 $0xE100;
	s25 =	simm.s32 $0xE900  }
0x13: {  	s26 =	simm.s32 $0xF100;
	s3 =	sadd.s32 s3, s4;
	s7 =	sshrl.u32 s18, $0x1  }
0x14: {  	s3 =	sadd.s32 s5, s3;
	s5 =	sadd.s32 s15, s4;
	s6 =	ssub.s32 s18, s7  }
0x15: {  	s7 =	simm.s32 $0x100;
	s15 =	simm.s32 $0x9900;
	s18 =	simm.s32 $0xB100  }
0x16: {  	v2 =	vlaneseq.u32;
	s3 =	sadd.s32 $0xCB400, s3;
	s23 =	smax.u32 s6, $0x1;
	s1 =	sadd.s32 s1, s5  }
0x17: {  	vm0 =	vmmov $0xffff;
	v1 =	vshrl.u32 v2, $0x3;
	s6 =	simm.s32 $0x2;
	[dreg:$0x2] =	wrdreg s3;
	s3 =	sadd.s32 $0x499200, s4  }
0x18: {  	v0 =	vand.u32 $0x7, v2;
	v2 =	vor.u32 $0x8, v2;
	v1 =	vmul.u32 $0x8, v1;
	[dreg:$0xe] =	wrdreg s23;
	s5 =	sadd.s32 $0x622200, s1;
	s23 =	simm.s32 $0xD900  }
.LBB2_1:
0x19: {  	s31 =	smov.u32 s5;
	s1 =	simm.s32 $0x0  }
.LBB2_2:
0x1a: {  	s0 =	rddreg [dreg:$0x2]  }
0x1b: {  	s0 =	sadd.s32 s1, s0  }
0x1c: {  	[tilespmem:s2], [sflag:$0x2] =	stream.linear.gather [hbm4b:s0+s2], $0x100, $0x38;
	[tilespmem:$0x10100] =	vst v63  }
0x1d: {  	_ =	swait.ge [sflag:s6], $0x100  }
0x1e: {  	[sflag:s6] =	ssyncset.done $0x0  }
0x1f: {  	[sflag:s6] =	ssyncadd.s32 $0xFFFFFF00  }
0x20: {  	v3 =	vld [tilespmem:$0x0];
	_ =	sdelay $0x4  }
0x21: {  	v4 =	vshll.u32 v3, $0x1  }
0x22: {  	v3 =	vand.u32 $0x7, v3;
	v4 =	vand.u32 $0xFFFFFFF0, v4  }
0x23: {  	v3 =	vor.u32 v3, v4  }
0x24: {  	v4 =	vperm.xlane v3, v0;
	_ =	sdelay $0x1  }
0x25: {  	v3 =	vperm.xlane v3, v2;
	v4 =	vadd.s32 v1, v4;
	_ =	sdelay $0x1  }
0x26: {  	v3 =	vadd.s32 v1, v3;
	_ =	sdelay $0x2  }
0x27: {  	[tilespmem:s7], [sflag:$0x1] =	stream.indirect_vreg.gather [hbm4b:s3+s2], $0x80, v4, vm0, $0xb8;
	[tilespmem:$0x10100] =	vst v63  }
0x28: {  	s4 =	rddreg [dreg:$0x3]  }
0x29: {  	[tilespmem:s4], [sflag:$0x1] =	stream.indirect_vreg.gather [hbm4b:s3+s2], $0x80, v3, vm0, $0xb8;
	[tilespmem:$0x10100] =	vst v63  }
0x2a: {  	v3 =	vld [tilespmem:$0x10];
	_ =	sdelay $0x4  }
0x2b: {  	v49 =	vshll.u32 v3, $0x1  }
0x2c: {  	v3 =	vand.u32 $0x7, v3;
	v4 =	vand.u32 $0xFFFFFFF0, v49  }
0x2d: {  	v3 =	vor.u32 v3, v4  }
0x2e: {  	v4 =	vperm.xlane v3, v0;
	_ =	sdelay $0x1  }
0x2f: {  	v3 =	vperm.xlane v3, v2;
	v4 =	vadd.s32 v1, v4;
	_ =	sdelay $0x1  }
0x30: {  	v3 =	vadd.s32 v1, v3;
	_ =	sdelay $0x1  }
0x31: {  	s0 =	rddreg [dreg:$0x4]  }
0x32: {  	[tilespmem:s0], [sflag:$0x1] =	stream.indirect_vreg.gather [hbm4b:s3+s2], $0x80, v4, vm0, $0xb8;
	[tilespmem:$0x10100] =	vst v63  }
0x33: {  	s4 =	rddreg [dreg:$0x5]  }
0x34: {  	[tilespmem:s4], [sflag:$0x1] =	stream.indirect_vreg.gather [hbm4b:s3+s2], $0x80, v3, vm0, $0xb8;
	[tilespmem:$0x10100] =	vst v63  }
0x35: {  	v3 =	vld [tilespmem:$0x20];
	_ =	sdelay $0x4  }
0x36: {  	v50 =	vshll.u32 v3, $0x1  }
0x37: {  	v3 =	vand.u32 $0x7, v3;
	v4 =	vand.u32 $0xFFFFFFF0, v50  }
0x38: {  	v3 =	vor.u32 v3, v4  }
0x39: {  	v4 =	vperm.xlane v3, v0;
	_ =	sdelay $0x1  }
0x3a: {  	v3 =	vperm.xlane v3, v2;
	v4 =	vadd.s32 v1, v4;
	_ =	sdelay $0x1  }
0x3b: {  	v3 =	vadd.s32 v1, v3;
	_ =	sdelay $0x1  }
0x3c: {  	s0 =	rddreg [dreg:$0x6]  }
0x3d: {  	[tilespmem:s0], [sflag:$0x1] =	stream.indirect_vreg.gather [hbm4b:s3+s2], $0x80, v4, vm0, $0xb8;
	[tilespmem:$0x10100] =	vst v63  }
0x3e: {  	s4 =	rddreg [dreg:$0x7]  }
0x3f: {  	[tilespmem:s4], [sflag:$0x1] =	stream.indirect_vreg.gather [hbm4b:s3+s2], $0x80, v3, vm0, $0xb8;
	[tilespmem:$0x10100] =	vst v63  }
0x40: {  	v3 =	vld [tilespmem:$0x30];
	_ =	sdelay $0x4  }
0x41: {  	v51 =	vshll.u32 v3, $0x1  }
0x42: {  	v3 =	vand.u32 $0x7, v3;
	v4 =	vand.u32 $0xFFFFFFF0, v51  }
0x43: {  	v3 =	vor.u32 v3, v4  }
0x44: {  	v4 =	vperm.xlane v3, v0;
	_ =	sdelay $0x1  }
0x45: {  	v3 =	vperm.xlane v3, v2;
	v4 =	vadd.s32 v1, v4;
	_ =	sdelay $0x1  }
0x46: {  	v3 =	vadd.s32 v1, v3;
	_ =	sdelay $0x1  }
0x47: {  	s0 =	rddreg [dreg:$0x8]  }
0x48: {  	[tilespmem:s0], [sflag:$0x1] =	stream.indirect_vreg.gather [hbm4b:s3+s2], $0x80, v4, vm0, $0xb8;
	[tilespmem:$0x10100] =	vst v63  }
0x49: {  	s4 =	rddreg [dreg:$0x9]  }
0x4a: {  	[tilespmem:s4], [sflag:$0x1] =	stream.indirect_vreg.gather [hbm4b:s3+s2], $0x80, v3, vm0, $0xb8;
	[tilespmem:$0x10100] =	vst v63  }
0x4b: {  	v3 =	vld [tilespmem:$0x40];
	_ =	sdelay $0x4  }
0x4c: {  	v52 =	vshll.u32 v3, $0x1  }
0x4d: {  	v3 =	vand.u32 $0x7, v3;
	v4 =	vand.u32 $0xFFFFFFF0, v52  }
0x4e: {  	v3 =	vor.u32 v3, v4  }
0x4f: {  	v4 =	vperm.xlane v3, v0;
	_ =	sdelay $0x1  }
0x50: {  	v3 =	vperm.xlane v3, v2;
	v4 =	vadd.s32 v1, v4;
	_ =	sdelay $0x1  }
0x51: {  	v3 =	vadd.s32 v1, v3;
	_ =	sdelay $0x1  }
0x52: {  	s0 =	rddreg [dreg:$0xa]  }
0x53: {  	[tilespmem:s0], [sflag:$0x1] =	stream.indirect_vreg.gather [hbm4b:s3+s2], $0x80, v4, vm0, $0xb8;
	[tilespmem:$0x10100] =	vst v63  }
0x54: {  	s4 =	rddreg [dreg:$0xb]  }
0x55: {  	[tilespmem:s4], [sflag:$0x1] =	stream.indirect_vreg.gather [hbm4b:s3+s2], $0x80, v3, vm0, $0xb8;
	[tilespmem:$0x10100] =	vst v63  }
0x56: {  	v3 =	vld [tilespmem:$0x50];
	_ =	sdelay $0x4  }
0x57: {  	v53 =	vshll.u32 v3, $0x1  }
0x58: {  	v3 =	vand.u32 $0x7, v3;
	v4 =	vand.u32 $0xFFFFFFF0, v53  }
0x59: {  	v3 =	vor.u32 v3, v4  }
0x5a: {  	v4 =	vperm.xlane v3, v0;
	_ =	sdelay $0x1  }
0x5b: {  	v3 =	vperm.xlane v3, v2;
	v4 =	vadd.s32 v1, v4;
	_ =	sdelay $0x1  }
0x5c: {  	v3 =	vadd.s32 v1, v3;
	_ =	sdelay $0x1  }
0x5d: {  	s0 =	rddreg [dreg:$0xc]  }
0x5e: {  	[tilespmem:s0], [sflag:$0x1] =	stream.indirect_vreg.gather [hbm4b:s3+s2], $0x80, v4, vm0, $0xb8;
	[tilespmem:$0x10100] =	vst v63  }
0x5f: {  	s4 =	rddreg [dreg:$0xd]  }
0x60: {  	[tilespmem:s4], [sflag:$0x1] =	stream.indirect_vreg.gather [hbm4b:s3+s2], $0x80, v3, vm0, $0xb8;
	[tilespmem:$0x10100] =	vst v63  }
0x61: {  	v3 =	vld [tilespmem:$0x60];
	_ =	sdelay $0x4  }
0x62: {  	v54 =	vshll.u32 v3, $0x1  }
0x63: {  	v3 =	vand.u32 $0x7, v3;
	v4 =	vand.u32 $0xFFFFFFF0, v54  }
0x64: {  	v3 =	vor.u32 v3, v4  }
0x65: {  	v4 =	vperm.xlane v3, v0;
	_ =	sdelay $0x1  }
0x66: {  	v3 =	vperm.xlane v3, v2;
	v4 =	vadd.s32 v1, v4;
	_ =	sdelay $0x1  }
0x67: {  	v3 =	vadd.s32 v1, v3;
	_ =	sdelay $0x2  }
0x68: {  	[tilespmem:s8], [sflag:$0x1] =	stream.indirect_vreg.gather [hbm4b:s3+s2], $0x80, v4, vm0, $0xb8;
	[tilespmem:$0x10100] =	vst v63  }
0x69: {  	_ = 	snop  }
0x6a: {  	[tilespmem:s9], [sflag:$0x1] =	stream.indirect_vreg.gather [hbm4b:s3+s2], $0x80, v3, vm0, $0xb8;
	[tilespmem:$0x10100] =	vst v63  }
0x6b: {  	v3 =	vld [tilespmem:$0x70];
	_ =	sdelay $0x4  }
0x6c: {  	v55 =	vshll.u32 v3, $0x1  }
0x6d: {  	v3 =	vand.u32 $0x7, v3;
	v4 =	vand.u32 $0xFFFFFFF0, v55  }
0x6e: {  	v3 =	vor.u32 v3, v4  }
0x6f: {  	v4 =	vperm.xlane v3, v0;
	_ =	sdelay $0x1  }
0x70: {  	v3 =	vperm.xlane v3, v2;
	v4 =	vadd.s32 v1, v4;
	_ =	sdelay $0x1  }
0x71: {  	v3 =	vadd.s32 v1, v3;
	_ =	sdelay $0x2  }
0x72: {  	[tilespmem:s10], [sflag:$0x1] =	stream.indirect_vreg.gather [hbm4b:s3+s2], $0x80, v4, vm0, $0xb8;
	[tilespmem:$0x10100] =	vst v63  }
0x73: {  	_ = 	snop  }
0x74: {  	[tilespmem:s11], [sflag:$0x1] =	stream.indirect_vreg.gather [hbm4b:s3+s2], $0x80, v3, vm0, $0xb8;
	[tilespmem:$0x10100] =	vst v63  }
0x75: {  	v3 =	vld [tilespmem:$0x80];
	_ =	sdelay $0x4  }
0x76: {  	v56 =	vshll.u32 v3, $0x1  }
0x77: {  	v3 =	vand.u32 $0x7, v3;
	v4 =	vand.u32 $0xFFFFFFF0, v56  }
0x78: {  	v3 =	vor.u32 v3, v4  }
0x79: {  	v4 =	vperm.xlane v3, v0;
	_ =	sdelay $0x1  }
0x7a: {  	v3 =	vperm.xlane v3, v2;
	v4 =	vadd.s32 v1, v4;
	_ =	sdelay $0x1  }
0x7b: {  	v3 =	vadd.s32 v1, v3;
	_ =	sdelay $0x2  }
0x7c: {  	[tilespmem:s12], [sflag:$0x1] =	stream.indirect_vreg.gather [hbm4b:s3+s2], $0x80, v4, vm0, $0xb8;
	[tilespmem:$0x10100] =	vst v63  }
0x7d: {  	_ = 	snop  }
0x7e: {  	[tilespmem:s13], [sflag:$0x1] =	stream.indirect_vreg.gather [hbm4b:s3+s2], $0x80, v3, vm0, $0xb8;
	[tilespmem:$0x10100] =	vst v63  }
0x7f: {  	v3 =	vld [tilespmem:$0x90];
	_ =	sdelay $0x4  }
0x80: {  	v57 =	vshll.u32 v3, $0x1  }
0x81: {  	v3 =	vand.u32 $0x7, v3;
	v4 =	vand.u32 $0xFFFFFFF0, v57  }
0x82: {  	v3 =	vor.u32 v3, v4  }
0x83: {  	v4 =	vperm.xlane v3, v0;
	_ =	sdelay $0x1  }
0x84: {  	v3 =	vperm.xlane v3, v2;
	v4 =	vadd.s32 v1, v4;
	_ =	sdelay $0x1  }
0x85: {  	v3 =	vadd.s32 v1, v3;
	_ =	sdelay $0x2  }
0x86: {  	[tilespmem:s14], [sflag:$0x1] =	stream.indirect_vreg.gather [hbm4b:s3+s2], $0x80, v4, vm0, $0xb8;
	[tilespmem:$0x10100] =	vst v63  }
0x87: {  	_ = 	snop  }
0x88: {  	[tilespmem:s15], [sflag:$0x1] =	stream.indirect_vreg.gather [hbm4b:s3+s2], $0x80, v3, vm0, $0xb8;
	[tilespmem:$0x10100] =	vst v63  }
0x89: {  	v3 =	vld [tilespmem:$0xA0];
	_ =	sdelay $0x4  }
0x8a: {  	v58 =	vshll.u32 v3, $0x1  }
0x8b: {  	v3 =	vand.u32 $0x7, v3;
	v4 =	vand.u32 $0xFFFFFFF0, v58  }
0x8c: {  	v3 =	vor.u32 v3, v4  }
0x8d: {  	v4 =	vperm.xlane v3, v0;
	_ =	sdelay $0x1  }
0x8e: {  	v3 =	vperm.xlane v3, v2;
	v4 =	vadd.s32 v1, v4;
	_ =	sdelay $0x1  }
0x8f: {  	v3 =	vadd.s32 v1, v3;
	_ =	sdelay $0x2  }
0x90: {  	[tilespmem:s16], [sflag:$0x1] =	stream.indirect_vreg.gather [hbm4b:s3+s2], $0x80, v4, vm0, $0xb8;
	[tilespmem:$0x10100] =	vst v63  }
0x91: {  	_ = 	snop  }
0x92: {  	[tilespmem:s17], [sflag:$0x1] =	stream.indirect_vreg.gather [hbm4b:s3+s2], $0x80, v3, vm0, $0xb8;
	[tilespmem:$0x10100] =	vst v63  }
0x93: {  	v3 =	vld [tilespmem:$0xB0];
	_ =	sdelay $0x4  }
0x94: {  	v59 =	vshll.u32 v3, $0x1  }
0x95: {  	v3 =	vand.u32 $0x7, v3;
	v4 =	vand.u32 $0xFFFFFFF0, v59  }
0x96: {  	v3 =	vor.u32 v3, v4  }
0x97: {  	v4 =	vperm.xlane v3, v0;
	_ =	sdelay $0x1  }
0x98: {  	v3 =	vperm.xlane v3, v2;
	v4 =	vadd.s32 v1, v4;
	_ =	sdelay $0x1  }
0x99: {  	v3 =	vadd.s32 v1, v3;
	_ =	sdelay $0x2  }
0x9a: {  	[tilespmem:s18], [sflag:$0x1] =	stream.indirect_vreg.gather [hbm4b:s3+s2], $0x80, v4, vm0, $0xb8;
	[tilespmem:$0x10100] =	vst v63  }
0x9b: {  	_ = 	snop  }
0x9c: {  	[tilespmem:s19], [sflag:$0x1] =	stream.indirect_vreg.gather [hbm4b:s3+s2], $0x80, v3, vm0, $0xb8;
	[tilespmem:$0x10100] =	vst v63  }
0x9d: {  	v3 =	vld [tilespmem:$0xC0];
	_ =	sdelay $0x4  }
0x9e: {  	v60 =	vshll.u32 v3, $0x1  }
0x9f: {  	v3 =	vand.u32 $0x7, v3;
	v4 =	vand.u32 $0xFFFFFFF0, v60  }
0xa0: {  	v3 =	vor.u32 v3, v4  }
0xa1: {  	v4 =	vperm.xlane v3, v0;
	_ =	sdelay $0x1  }
0xa2: {  	v3 =	vperm.xlane v3, v2;
	v4 =	vadd.s32 v1, v4;
	_ =	sdelay $0x1  }
0xa3: {  	v3 =	vadd.s32 v1, v3;
	_ =	sdelay $0x2  }
0xa4: {  	[tilespmem:s20], [sflag:$0x1] =	stream.indirect_vreg.gather [hbm4b:s3+s2], $0x80, v4, vm0, $0xb8;
	[tilespmem:$0x10100] =	vst v63  }
0xa5: {  	_ = 	snop  }
0xa6: {  	[tilespmem:s21], [sflag:$0x1] =	stream.indirect_vreg.gather [hbm4b:s3+s2], $0x80, v3, vm0, $0xb8;
	[tilespmem:$0x10100] =	vst v63  }
0xa7: {  	v3 =	vld [tilespmem:$0xD0];
	_ =	sdelay $0x4  }
0xa8: {  	v61 =	vshll.u32 v3, $0x1  }
0xa9: {  	v3 =	vand.u32 $0x7, v3;
	v4 =	vand.u32 $0xFFFFFFF0, v61  }
0xaa: {  	v3 =	vor.u32 v3, v4  }
0xab: {  	v4 =	vperm.xlane v3, v0;
	_ =	sdelay $0x1  }
0xac: {  	v3 =	vperm.xlane v3, v2;
	v4 =	vadd.s32 v1, v4;
	_ =	sdelay $0x1  }
0xad: {  	v3 =	vadd.s32 v1, v3;
	_ =	sdelay $0x2  }
0xae: {  	[tilespmem:s22], [sflag:$0x1] =	stream.indirect_vreg.gather [hbm4b:s3+s2], $0x80, v4, vm0, $0xb8;
	[tilespmem:$0x10100] =	vst v63  }
0xaf: {  	_ = 	snop  }
0xb0: {  	[tilespmem:s23], [sflag:$0x1] =	stream.indirect_vreg.gather [hbm4b:s3+s2], $0x80, v3, vm0, $0xb8;
	[tilespmem:$0x10100] =	vst v63  }
0xb1: {  	v3 =	vld [tilespmem:$0xE0];
	_ =	sdelay $0x4  }
0xb2: {  	v62 =	vshll.u32 v3, $0x1  }
0xb3: {  	v3 =	vand.u32 $0x7, v3;
	v4 =	vand.u32 $0xFFFFFFF0, v62  }
0xb4: {  	v3 =	vor.u32 v3, v4  }
0xb5: {  	v4 =	vperm.xlane v3, v0;
	_ =	sdelay $0x1  }
0xb6: {  	v3 =	vperm.xlane v3, v2;
	v4 =	vadd.s32 v1, v4;
	_ =	sdelay $0x1  }
0xb7: {  	v3 =	vadd.s32 v1, v3;
	_ =	sdelay $0x2  }
0xb8: {  	[tilespmem:s24], [sflag:$0x1] =	stream.indirect_vreg.gather [hbm4b:s3+s2], $0x80, v4, vm0, $0xb8;
	[tilespmem:$0x10100] =	vst v63  }
0xb9: {  	_ = 	snop  }
0xba: {  	[tilespmem:s25], [sflag:$0x1] =	stream.indirect_vreg.gather [hbm4b:s3+s2], $0x80, v3, vm0, $0xb8;
	[tilespmem:$0x10100] =	vst v63  }
0xbb: {  	v3 =	vld [tilespmem:$0xF0];
	_ =	sdelay $0x4  }
0xbc: {  	v63 =	vshll.u32 v3, $0x1  }
0xbd: {  	v3 =	vand.u32 $0x7, v3;
	v4 =	vand.u32 $0xFFFFFFF0, v63  }
0xbe: {  	v3 =	vor.u32 v3, v4  }
0xbf: {  	v4 =	vperm.xlane v3, v0;
	_ =	sdelay $0x1  }
0xc0: {  	v3 =	vperm.xlane v3, v2;
	v4 =	vadd.s32 v1, v4;
	_ =	sdelay $0x1  }
0xc1: {  	v3 =	vadd.s32 v1, v3;
	_ =	sdelay $0x2  }
0xc2: {  	[tilespmem:s26], [sflag:$0x1] =	stream.indirect_vreg.gather [hbm4b:s3+s2], $0x80, v4, vm0, $0xb8;
	[tilespmem:$0x10100] =	vst v63  }
0xc3: {  	_ = 	snop  }
0xc4: {  	[tilespmem:s28], [sflag:$0x1] =	stream.indirect_vreg.gather [hbm4b:s3+s2], $0x80, v3, vm0, $0xb8;
	[tilespmem:$0x10100] =	vst v63  }
0xc5: {  	_ =	swait.ge [sflag:s29], $0x8000  }
0xc6: {  	[sflag:s29] =	ssyncset.done $0x0  }
0xc7: {  	[sflag:s29] =	ssyncadd.s32 $0xFFFF8000  }
0xc8: {  	_ =	swait.ge [sflag:s29], $0x8000  }
0xc9: {  	[sflag:s29] =	ssyncset.done $0x0  }
0xca: {  	s4 =	sadd.s32 $0xFFFFF000, s31;
	[sflag:s29] =	ssyncadd.s32 $0xFFFF8000  }
0xcb: {  	[hbm4b:s4+s2] =	stream.linear.scatter [tilespmem:s7], [sflag:$0x2], $0x8000, $0x38;
	[tilespmem:$0x10100] =	vst v63  }
0xcc: {  	_ =	swait.ge [sflag:s6], $0x8000  }
0xcd: {  	p0 =	sne.s32 s1, $0x300;
	[sflag:s6] =	ssyncset.done $0x0  }
.Ltmp0:
0xce: {  	[sflag:s6] =	ssyncadd.s32 $0xFFFF8000;
	(pc) =	sbr.rel @p0 .LBB2_2-.Ltmp0, $4  }
0xcf: {  	[hbm4b:s31+s2] =	stream.linear.scatter [tilespmem:s12], [sflag:$0x2], $0x8000, $0x38;
	[tilespmem:$0x10100] =	vst v63  }
0xd0: {  	_ =	swait.ge [sflag:s6], $0x8000  }
0xd1: {  	[sflag:s6] =	ssyncset.done $0x0  }
0xd2: {  	s1 =	sadd.s32 $0x20, s1;
	s31 =	sadd.s32 $0x2000, s31;
	[sflag:s6] =	ssyncadd.s32 $0xFFFF8000  }
0xd3: {  	s30 =	sadd.s32 $0x1, s30;
	s0 =	rddreg [dreg:$0xe]  }
0xd4: {  	p0 =	sne.s32 s30, s0  }
.Ltmp1:
0xd5: {  	_ = 	snop;
	(pc) =	sbr.rel @p0 .LBB2_1-.Ltmp1, $1  }
0xd6: {  	_ =	sdelay $0x3  }
0xd7: {  	_ =	sfence.sel $0x180000  }
0xd8: {  	[bflag:$0x0] =	sbarrier.arrive $0xFFFF  }
0xd9: {  	_ =	strace $0x9000004A  }
0xda: {  	s0 =	stileid.u32;
	[bflag:$0x2] =	sbarrier.arrive $0xFFFF  }
0xdb: {  	p0 =	sne.s32 s0, $0x0;
	s0 =	rddreg [dreg:$0x1]  }
0xdc: {  	s0 =	sadd.s32 @!p0 $0x100000, s0  }
0xdd: {  	[sflag:s0] =	ssyncadd.tile.s32 @!p0 $0x1;
	_ =	shalt  }
.Lfunc_end2:
_tile_overlayer_lowered:
.L_overlay_start_2:
0xde: {  	(tag) =	ssettag $0x2  }
0xdf: {  	s0 =	rddreg [dreg:$0x0];
	s2 =	stileid.u32  }
0xe0: {  	s1 =	rddreg [dreg:$0x1];
	p0 =	sne.s32 s2, $0x0  }
0xe1: {  	s3 =	rddreg [dreg:$0x2];
	[bflag:$0x3] =	sbarrier.arrive $0xFFFF;
	s2 =	simm.s32 @!p0 $0x1C02  }
0xe2: {  	[timem:s3], [sflag:s2] =	dma.local @!p0 [hbm:s0], s1  }
0xe3: {  	s0 =	simm.s32 @!p0 $0x2  }
0xe4: {  	_ =	swait.ge @!p0 [sflag:s0], s1  }
0xe5: {  	s1 =	ssub.s32 @!p0 $0x0, s1;
	[sflag:s0] =	ssyncset.done @!p0 $0x0  }
0xe6: {  	[sflag:s0] =	ssyncadd.s32 @!p0 s1  }
0xe7: {  	[bflag:$0x3] =	sbarrier.arrive $0xFFFF  }
0xe8: {  	_ =	shalt  }

// kernel: sparse-core-data-format-call.1.cloned.1.call-start
scs
called_computation.1_lowered:
.L_overlay_start_0:
0x0: {  	s1 =	sld [smem:$0x3FD9]  }
0x1: {  	s2 =	sld [smem:$0x3FFE];
	_ =	sdelay $0x1  }
0x2: {  	s3 =	srdreg.scid  }
0x3: {  	s0 =	sand.u32 $0x1, s3  }
0x4: {  	s17 =	sshll.u32 s0, $0xA;
	s1 =	sadd.s32 s2, s1  }
0x5: {  	s1 =	sadd.s32 s1, s17  }
0x6: {  	[smem:$0x3FC3] =	sst s1  }
0x7: {  	_ = 	snop  }
0x8: {  	(tm) =	ssettm $0x1  }
0x9: {  	s18 =	sld [smem:$0x3FFB];
	_ =	sdelay $0x3  }
0xa: {  	_ =	strace s18  }
0xb: {  	s1 =	sld [smem:$0x3FFC];
	_ =	sdelay $0x3  }
0xc: {  	_ =	strace s1  }
0xd: {  	s1 =	sld [smem:$0x3FFD];
	_ =	sdelay $0x3  }
0xe: {  	_ =	strace s1  }
0xf: {  	_ =	strace $0x8FFFFFFF  }
0x10: {  	s19 =	sld [smem:$0x3FDB];
	_ =	sdelay $0x1  }
0x11: {  	s20 =	simm.s32 $_scs_section_size  }
0x12: {  	s4 =	simm.s32 $_size__tile_overlayer_lowered;
	s5 =	simm.s32 $_tile_overlayer_lowered  }
0x13: {  	s23 =	simm.s32 $0x1BFF;
	s22 =	sshll.u32 s5, $0x1;
	s1 =	sadd.s32 s20, s19  }
0x14: {  	s6 =	simm.s32 $0x0;
	s21 =	sshll.u32 s4, $0x1;
	s4 =	sadd.s32 s22, s1  }
0x15: {  	[timem:s6], [sflag:s23] =	dma.local [hbm:s4], s21  }
0x16: {  	_ =	swait.ge [sflag:s23], s21  }
0x17: {  	s2 =	ssub.s32 $0x0, s21;
	[sflag:s23] =	ssyncset.done $0x0  }
0x18: {  	[sflag:s23] =	ssyncadd.s32 s2;
	_ =	sdelay $0x1  }
0x19: {  	s24 =	simm.s32 $0x1B8B  }
0x1a: {  	_ =	swait.ge [sflag:s24], $0x1  }
0x1b: {  	[sflag:s24] =	ssyncset.done $0x0  }
0x1c: {  	s26 =	simm.s32 $0x1B8E;
	s25 =	sld [smem:$0x3FFE];
	[sflag:s24] =	ssyncadd.s32 $0xFFFFFFFF  }
0x1d: {  	s27 =	simm.s32 $execute0_lowered;
	[smem:$0x3FD2] =	sst s26  }
0x1e: {  	s4 =	sshll.u32 s27, $0x1;
	_ =	strace $0x80000046;
	[dreg:$0x1] =	wrdreg $0xFFFFFFFF  }
0x1f: {  	s28 =	simm.s32 $_size_execute0_lowered;
	s1 =	sadd.s32 s1, s4;
	[dreg:$0x0] =	wrdreg $0x0  }
0x20: {  	s4 =	sshll.u32 s28, $0x1;
	[dreg:$0x2] =	wrdreg s1  }
0x21: {  	[dreg:$0x3] =	wrdreg s4  }
0x22: {  	[dreg:$0x4] =	wrdreg $0xC0  }
0x23: {  	_ =	task [dreg:s6], $0x5FFFF  }
0x24: {  	[dreg:$0x1] =	wrdreg $0xFFFFFFFF  }
0x25: {  	[dreg:$0x0] =	wrdreg $0x60  }
0x26: {  	[dreg:$0x2] =	wrdreg s25  }
0x27: {  	[dreg:$0x3] =	wrdreg $0x9  }
0x28: {  	_ =	task.clear_ibuf [dreg:s6], $0x4FFFF;
	_ =	strace $0x90000046  }
0x29: {  	s29 =	simm.s32 $0x9;
	_ =	strace $0x80000048  }
0x2a: {  	_ =	swait.ge [sflag:s29], $0x1  }
0x2b: {  	[sflag:s29] =	ssyncadd.s32 $0xFFFFFFFF  }
0x2c: {  	_ =	strace $0x90000048  }
0x2d: {  	_ =	sfence  }
0x2e: {  	s30 =	sld [smem:$0x0];
	_ =	sdelay $0x2  }
0x2f: {  	s31 =	sshll.u32 s3, $0xD;
	s3 =	sshrl.u32 s3, $0x2  }
0x30: {  	s2 =	sand.u32 $0x4000, s31;
	s1 =	sadd.s32 s3, s30  }
0x31: {  	s0 =	sor.u32 s2, s0;
	s1 =	sshll.u32 s1, $0x11  }
0x32: {  	s0 =	sor.u32 s1, s0  }
0x33: {  	s0 =	sadd.s32 $0x8F2B, s0  }
0x34: {  	[sflag:s0] =	ssyncadd.remote.s32 $0x1  }
0x35: {  	_ =	sfence.sel $0xFFFF  }
0x36: {  	[dreg:$0x0] =	wrdreg $0xFFFFFFFF;
	(pc) =	sbr.abs _section_cstart, $3  }
0x37: {  	[dreg:$0x1] =	wrdreg $0xFFFFFFFF  }
0x38: {  	_ =	task.clear_ibuf [dreg:s6], $0x2FFFF;
	_ =	strace $0x9FFFFFFF  }
0x39: {  	(tm) =	ssettm $0x7FFFFFFF  }
tec
execute0_lowered:
.L_overlay_start_1:
0x0: {  	(tag) =	ssettag $0x1  }
0x1: {  	s0 =	srdreg.scid  }
0x2: {  	s1 =	sshll.u32 s0, $0x4  }
0x3: {  	s0 =	stileid.u32;
	s1 =	sand.u32 $0x10, s1  }
0x4: {  	s6 =	rddreg [dreg:$0x0];
	s1 =	sor.u32 s0, s1  }
0x5: {  	s4 =	simm.s32 $0x1;
	s7 =	simm.s32 $0x2;
	s2 =	sshll.u32 s1, $0x1  }
0x6: {  	s14 =	simm.s32 $0x0;
	s8 =	simm.s32 $0x2000;
	s3 =	ssub.s32 $0xE0, s2  }
0x7: {  	s9 =	simm.s32 $0xE000;
	s10 =	simm.s32 $0x0;
	s31 =	sand.u32 $0x3E, s3  }
0x8: {  	s15 =	simm.s32 $0x0;
	s11 =	simm.s32 $0x0;
	p0 =	sne.s32 s31, $0x0  }
.Ltmp0:
0x9: {  	s3 =	sshrl.u32 s3, $0x6;
	s4 =	simm.s32 @!p0 $0x0;
	(pc) =	sbr.rel .LBB1_1-.Ltmp0, $4  }
0xa: {  	s13 =	simm.s32 $0x0;
	s1 =	rddreg [dreg:$0x1];
	s5 =	sadd.s32 s4, s3  }
0xb: {  	_ =	strace $0x80000047;
	s4 =	simm.s32 $0x1;
	s5 =	smul.u32 $0x7, s5  }
0xc: {  	s12 =	smov.u32 s2;
	s3 =	sadd.s32 $0x189200, s6;
	[sflag:s4] =	ssyncpa.u1 $0x0  }
0xd: {  	s6 =	sadd.s32 $0x311200, s6;
	[sflag:s7] =	ssyncpa.u1 $0x0;
	s7 =	sadd.s32 $0x1, s5  }
.LBB1_7:
0xe: {  	s16 =	sadd.s32 $0x20, s11  }
0xf: {  	s14 =	sadd.s32 $0x40, s12;
	s18 =	smov.u32 s12;
	p1 =	sgt.s32 s16, $0xDF  }
0x10: {  	s18 =	smov.u32 @p1 s14  }
0x11: {  	s16 =	simm.s32 @p1 $0x0;
	p1 =	sgt.s32 s18, $0xDF  }
0x12: {  	s18 =	smov.u32 @p1 s2;
	p1 =	sne.s32 s13, s7  }
.Ltmp1:
0x13: {  	p0 =	slt.u32 s13, $0x2;
	(pc) =	sbr.rel @!p1 .LBB1_8-.Ltmp1, $4  }
0x14: {  	s17 =	simm.s32 @!p0 $0x2  }
0x15: {  	s15 =	smov.u32 s12;
	s10 =	sadd.s32 $0x4000, s10;
	_ =	swait.ge @!p0 [sflag:s17], $0x4000  }
0x16: {  	s14 =	smov.u32 s11;
	[sflag:s17] =	ssyncset.done @!p0 $0x0;
	s11 =	smov.u32 s16  }
0x17: {  	s13 =	sadd.s32 $0x1, s13;
	[sflag:s17] =	ssyncadd.s32 @!p0 $0xFFFFC000;
	s12 =	smov.u32 s18  }
.LBB1_1:
0x18: {  	p0 =	sge.u32 s13, s5  }
0x19: {  	s17 =	smul.u32 @!p0 $0x1C00, s12  }
0x1a: {  	s31 =	sadd.s32 $0xFFFFFFFF, s13;
	s16 =	sxor.u32 @!p0 $0xFFFFFFFF, s13;
	s18 =	sshll.u32 @!p0 s11, $0x5  }
0x1b: {  	s19 =	simm.s32 @!p0 $0xE000;
	s16 =	sshll.u32 @!p0 s16, $0xE;
	s17 =	sadd.s32 @!p0 s3, s17  }
0x1c: {  	s16 =	sand.u32 @!p0 $0x4000, s16;
	s17 =	sadd.s32 @!p0 s18, s17;
	s18 =	simm.s32 @!p0 $0x2000  }
0x1d: {  	[tilespmem:s16], [sflag:$0x1] =	stream.strided.gather @!p0 [hbm4b:s17+s18], $0x4000, s19, s18, $0x38;
	[tilespmem:$0x10000] =	vst v63  }
0x1e: {  	p0 =	sge.u32 s31, s5  }
.Ltmp2:
0x1f: {  	_ = 	snop;
	(pc) =	sbr.rel @p0 .LBB1_7-.Ltmp2, $1  }
0x20: {  	_ =	sdelay $0x3  }
0x21: {  	s16 =	sshll.u32 s10, $0x2  }
0x22: {  	_ =	swait.ge [sflag:s4], $0x4000;
	s17 =	sshll.u32 s13, $0xE;
	p1 =	por $0x1, $0x1  }
0x23: {  	s19 =	simm.s32 $0x0;
	s16 =	sand.u32 $0x10000, s16;
	[sflag:s4] =	ssyncset.done $0x0  }
0x24: {  	s17 =	sand.u32 $0x4000, s17;
	s18 =	sshrl.u32 s16, $0x2;
	[sflag:s4] =	ssyncadd.s32 $0xFFFFC000  }
0x25: {  	s16 =	sor.u32 $0x8000, s17;
	s17 =	sadd.s32 $0x80, s18;
	s18 =	simm.s32 $0x0  }
.LBB1_3:
0x26: {  	s20 =	sshll.u32 s19, $0x2  }
0x27: {  	s20 =	sshra.s32 s20, $0x2  }
0x28: {  	s20 =	sadd.s32 s20, s17  }
0x29: {  	v2 =	vld [tilespmem:s20+$0x70]  }
0x2a: {  	s21 =	sadd.s32 s19, s16;
	v3 =	vld [tilespmem:s20+$0xFFFFFF90]  }
0x2b: {  	v0 =	vmov s21;
	v4 =	vld [tilespmem:s20+$0xFFFFFFA0]  }
0x2c: {  	v1 =	vmov s19;
	s30 =	sand.u32 $0x1800, s18;
	s31 =	sand.u32 $0x380, s18;
	v5 =	vld [tilespmem:s20+$0xFFFFFFB0]  }
0x2d: {  	s19 =	sor.u32 s31, s30;
	v6 =	vld [tilespmem:s20+$0xFFFFFFC0]  }
0x2e: {  	s21 =	sand.u32 $0x1B00, s19;
	v8 =	vld [tilespmem:s20+$0xFFFFFFD0]  }
0x2f: {  	s22 =	sand.u32 $0x80, s18;
	s21 =	sadd.s32 s21, s16;
	v9 =	vld [tilespmem:s20+$0xFFFFFFE0]  }
0x30: {  	v10 =	vld [tilespmem:s20+$0x0];
	s21 =	sadd.s32 s22, s21;
	[tilespmem:v0+s19+$0x470 ss:$0x1] =	vst.idx.msk $0xffff, v2  }
0x31: {  	v11 =	vld [tilespmem:s20+$0x10];
	[tilespmem:v1+s21+$0x10 ss:$0x1] =	vst.idx.msk $0xffff, v3  }
0x32: {  	v7 =	vld [tilespmem:s20+$0x30];
	[tilespmem:v1+s21+$0x20 ss:$0x1] =	vst.idx.msk $0xffff, v4  }
0x33: {  	v2 =	vld [tilespmem:s20+$0xFFFFFFF0];
	[tilespmem:v1+s21+$0x30 ss:$0x1] =	vst.idx.msk $0xffff, v5  }
0x34: {  	v5 =	vld [tilespmem:s20+$0x20];
	[tilespmem:v1+s21+$0x40 ss:$0x1] =	vst.idx.msk $0xffff, v6  }
0x35: {  	[tilespmem:v1+s21+$0x50 ss:$0x1] =	vst.idx.msk $0xffff, v8;
	v4 =	vld [tilespmem:s20+$0x40]  }
0x36: {  	[tilespmem:v1+s21+$0x60 ss:$0x1] =	vst.idx.msk $0xffff, v9;
	v3 =	vld [tilespmem:s20+$0x50]  }
0x37: {  	v6 =	vld [tilespmem:s20+$0xFFFFFF80];
	[tilespmem:v1+s21+$0x400 ss:$0x1] =	vst.idx.msk $0xffff, v10  }
0x38: {  	p0 =	por p1, p1;
	[tilespmem:v1+s21+$0x70 ss:$0x1] =	vst.idx.msk $0xffff, v2;
	v2 =	vld [tilespmem:s20+$0x60];
	s20 =	sadd.s32 $0x100, s20  }
0x39: {  	s24 =	simm.s32 $0x100;
	s23 =	simm.s32 $0x200;
	s22 =	simm.s32 $0x0;
	[tilespmem:v0+s19+$0x410 ss:$0x1] =	vst.idx.msk $0xffff, v11;
	v8 =	vld [tilespmem:s20+$0x70]  }
.LBB1_4:
0x3a: {  	p1 =	sne.s32 s23, $0x1F00;
	v9 =	vld [tilespmem:s20+$0xFFFFFF90];
	[tilespmem:v0+s19+$0x420 ss:$0x1] =	vst.idx.msk $0xffff, v5  }
0x3b: {  	s22 =	sadd.s32 $0x80, s22;
	v5 =	vld [tilespmem:s20+$0xFFFFFFA0];
	[tilespmem:v0+s19+$0x430 ss:$0x1] =	vst.idx.msk $0xffff, v7  }
0x3c: {  	s24 =	sand.u32 $0x1800, s24;
	s25 =	sand.u32 $0x380, s22;
	s26 =	sand.u32 $0x80, s22;
	v7 =	vld [tilespmem:s20+$0xFFFFFFB0];
	[tilespmem:v0+s19+$0x440 ss:$0x1] =	vst.idx.msk $0xffff, v4  }
0x3d: {  	s25 =	sor.u32 s25, s24;
	s24 =	smov.u32 s23;
	v4 =	vld [tilespmem:s20+$0xFFFFFFC0];
	[tilespmem:v1+s21+$0x0 ss:$0x1] =	vst.idx.msk $0xffff, v6  }
0x3e: {  	s21 =	sand.u32 $0x1B00, s25;
	v6 =	vld [tilespmem:s20+$0xFFFFFFD0];
	[tilespmem:v0+s25+$0x470 ss:$0x1] =	vst.idx.msk $0xffff, v8  }
0x3f: {  	s21 =	sadd.s32 s21, s16;
	v8 =	vld [tilespmem:s20+$0xFFFFFFE0];
	[tilespmem:v0+s19+$0x450 ss:$0x1] =	vst.idx.msk $0xffff, v3  }
0x40: {  	s21 =	sadd.s32 s26, s21;
	v10 =	vld [tilespmem:s20+$0xFFFFFFF0];
	[tilespmem:v0+s19+$0x460 ss:$0x1] =	vst.idx.msk $0xffff, v2;
	s19 =	smov.u32 s25  }
0x41: {  	[tilespmem:v1+s21+$0x10 ss:$0x1] =	vst.idx.msk $0xffff, v9;
	v9 =	vld [tilespmem:s20+$0x0]  }
0x42: {  	[tilespmem:v1+s21+$0x20 ss:$0x1] =	vst.idx.msk $0xffff, v5;
	v11 =	vld [tilespmem:s20+$0x10]  }
0x43: {  	[tilespmem:v1+s21+$0x30 ss:$0x1] =	vst.idx.msk $0xffff, v7;
	v5 =	vld [tilespmem:s20+$0x20]  }
0x44: {  	[tilespmem:v1+s21+$0x40 ss:$0x1] =	vst.idx.msk $0xffff, v4;
	v7 =	vld [tilespmem:s20+$0x30]  }
.Ltmp3:
0x45: {  	[tilespmem:v1+s21+$0x50 ss:$0x1] =	vst.idx.msk $0xffff, v6;
	v4 =	vld [tilespmem:s20+$0x40];
	(pc) =	sbr.rel @p1 .LBB1_4-.Ltmp3, $4  }
0x46: {  	[tilespmem:v1+s21+$0x60 ss:$0x1] =	vst.idx.msk $0xffff, v8;
	v3 =	vld [tilespmem:s20+$0x50]  }
0x47: {  	[tilespmem:v1+s21+$0x70 ss:$0x1] =	vst.idx.msk $0xffff, v10;
	v2 =	vld [tilespmem:s20+$0x60]  }
0x48: {  	v6 =	vld [tilespmem:s20+$0xFFFFFF80];
	[tilespmem:v1+s21+$0x400 ss:$0x1] =	vst.idx.msk $0xffff, v9;
	s20 =	sadd.s32 $0x100, s20  }
0x49: {  	s23 =	sadd.s32 $0x100, s23;
	v8 =	vld [tilespmem:s20+$0x70];
	[tilespmem:v0+s19+$0x410 ss:$0x1] =	vst.idx.msk $0xffff, v11  }
0x4a: {  	_ =	sdelay $0x3  }
0x4b: {  	[tilespmem:v0+s19+$0x420 ss:$0x1] =	vst.idx.msk $0xffff, v5  }
0x4c: {  	[tilespmem:v0+s19+$0x430 ss:$0x1] =	vst.idx.msk $0xffff, v7  }
0x4d: {  	[tilespmem:v0+s19+$0x440 ss:$0x1] =	vst.idx.msk $0xffff, v4;
	v57 =	vld [tilespmem:s20+$0x10]  }
0x4e: {  	s22 =	sadd.s32 $0x80, s22;
	v58 =	vld [tilespmem:s20+$0x20];
	[tilespmem:v0+s19+$0x450 ss:$0x1] =	vst.idx.msk $0xffff, v3  }
0x4f: {  	s23 =	sand.u32 $0x1800, s24;
	v59 =	vld [tilespmem:s20+$0x30];
	s30 =	sand.u32 $0x380, s22;
	[tilespmem:v0+s19+$0x460 ss:$0x1] =	vst.idx.msk $0xffff, v2  }
0x50: {  	v60 =	vld [tilespmem:s20+$0x40];
	s23 =	sor.u32 s30, s23;
	[tilespmem:v1+s21+$0x0 ss:$0x1] =	vst.idx.msk $0xffff, v6  }
0x51: {  	v62 =	vld [tilespmem:s20+$0x50];
	[tilespmem:v0+s23+$0x470 ss:$0x1] =	vst.idx.msk $0xffff, v8  }
0x52: {  	v63 =	vld [tilespmem:s20+$0x60];
	[tilespmem:v0+s23+$0x410 ss:$0x1] =	vst.idx.msk $0xffff, v57  }
0x53: {  	v49 =	vld [tilespmem:s20+$0xFFFFFF90];
	[tilespmem:v0+s23+$0x420 ss:$0x1] =	vst.idx.msk $0xffff, v58  }
0x54: {  	v50 =	vld [tilespmem:s20+$0xFFFFFFA0];
	[tilespmem:v0+s23+$0x430 ss:$0x1] =	vst.idx.msk $0xffff, v59  }
0x55: {  	v51 =	vld [tilespmem:s20+$0xFFFFFFB0];
	s31 =	sand.u32 $0x1B00, s23;
	[tilespmem:v0+s23+$0x440 ss:$0x1] =	vst.idx.msk $0xffff, v60  }
0x56: {  	v52 =	vld [tilespmem:s20+$0xFFFFFFC0];
	s22 =	sand.u32 $0x80, s22;
	s21 =	sadd.s32 s31, s16;
	[tilespmem:v0+s23+$0x450 ss:$0x1] =	vst.idx.msk $0xffff, v62  }
0x57: {  	v53 =	vld [tilespmem:s20+$0xFFFFFFD0];
	s21 =	sadd.s32 s22, s21;
	[tilespmem:v0+s23+$0x460 ss:$0x1] =	vst.idx.msk $0xffff, v63  }
0x58: {  	v54 =	vld [tilespmem:s20+$0xFFFFFFE0];
	[tilespmem:v1+s21+$0x10 ss:$0x1] =	vst.idx.msk $0xffff, v49  }
0x59: {  	v55 =	vld [tilespmem:s20+$0xFFFFFFF0];
	[tilespmem:v1+s21+$0x20 ss:$0x1] =	vst.idx.msk $0xffff, v50  }
0x5a: {  	v56 =	vld [tilespmem:s20+$0x0];
	[tilespmem:v1+s21+$0x30 ss:$0x1] =	vst.idx.msk $0xffff, v51  }
0x5b: {  	v61 =	vld [tilespmem:s20+$0xFFFFFF80];
	[tilespmem:v1+s21+$0x40 ss:$0x1] =	vst.idx.msk $0xffff, v52  }
.Ltmp4:
0x5c: {  	[tilespmem:v1+s21+$0x50 ss:$0x1] =	vst.idx.msk $0xffff, v53;
	(pc) =	sbr.rel @p0 .LBB1_3-.Ltmp4, $4  }
0x5d: {  	[tilespmem:v1+s21+$0x60 ss:$0x1] =	vst.idx.msk $0xffff, v54  }
0x5e: {  	[tilespmem:v1+s21+$0x70 ss:$0x1] =	vst.idx.msk $0xffff, v55  }
0x5f: {  	[tilespmem:v1+s21+$0x400 ss:$0x1] =	vst.idx.msk $0xffff, v56  }
0x60: {  	p1 =	por $0x0, $0x0;
	s19 =	simm.s32 $0x2000;
	[tilespmem:v1+s21+$0x0 ss:$0x1] =	vst.idx.msk $0xffff, v61  }
0x61: {  	s17 =	sshll.u32 s14, $0x8;
	s18 =	sshll.u32 s14, $0x7  }
0x62: {  	s17 =	sand.u32 $0xFFFFF800, s17;
	s18 =	sand.u32 $0x300, s18  }
0x63: {  	s17 =	sor.u32 s18, s17  }
0x64: {  	s17 =	sshrl.u32 s17, $0x8  }
0x65: {  	s30 =	smulhi.u32 $0x124924A, s17  }
0x66: {  	s15 =	smul.u32 $0x1C00, s15  }
0x67: {  	s18 =	smul.u32 $0xE0, s30  }
.Ltmp5:
0x68: {  	s31 =	sshll.u32 s14, $0x4;
	(pc) =	sbr.rel .LBB1_7-.Ltmp5, $4  }
0x69: {  	s14 =	sand.u32 $0x10, s31;
	s15 =	sadd.s32 s6, s15;
	s17 =	ssub.s32 s17, s18  }
0x6a: {  	s14 =	sadd.s32 s14, s15;
	s17 =	sshll.u32 s17, $0x5  }
0x6b: {  	s14 =	sadd.s32 s17, s14  }
0x6c: {  	[hbm4b:s14+s8] =	stream.strided.scatter [tilespmem:s16], [sflag:$0x2], $0x4000, s9, s8, $0x38;
	[tilespmem:$0x10000] =	vst v63  }
.LBB1_8:
0x6d: {  	_ =	sfence.sel $0x180000  }
0x6e: {  	s2 =	simm.s32 $0x1;
	[bflag:$0x0] =	sbarrier.arrive $0xFFFF  }
0x6f: {  	s31 =	simm.s32 $0x2;
	[sflag:s2] =	ssyncpa.u1 $0x1  }
0x70: {  	[sflag:s31] =	ssyncpa.u1 $0x1  }
0x71: {  	p0 =	sne.s32 s0, $0x0;
	_ =	strace $0x90000047  }
0x72: {  	s0 =	sadd.s32 @!p0 $0x100000, s1;
	[bflag:$0x2] =	sbarrier.arrive $0xFFFF  }
0x73: {  	[sflag:s0] =	ssyncadd.tile.s32 @!p0 $0x1;
	_ =	shalt  }
.Lfunc_end1:
_tile_overlayer_lowered:
.L_overlay_start_2:
0x74: {  	(tag) =	ssettag $0x2  }
0x75: {  	s0 =	rddreg [dreg:$0x0];
	s2 =	stileid.u32  }
0x76: {  	s1 =	rddreg [dreg:$0x1];
	p0 =	sne.s32 s2, $0x0  }
0x77: {  	s3 =	rddreg [dreg:$0x2];
	[bflag:$0x3] =	sbarrier.arrive $0xFFFF;
	s2 =	simm.s32 @!p0 $0x1C01  }
0x78: {  	[timem:s3], [sflag:s2] =	dma.local @!p0 [hbm:s0], s1  }
0x79: {  	s0 =	simm.s32 @!p0 $0x1  }
0x7a: {  	_ =	swait.ge @!p0 [sflag:s0], s1  }
0x7b: {  	s1 =	ssub.s32 @!p0 $0x0, s1;
	[sflag:s0] =	ssyncset.done @!p0 $0x0  }
0x7c: {  	[sflag:s0] =	ssyncadd.s32 @!p0 s1  }
0x7d: {  	[bflag:$0x3] =	sbarrier.arrive $0xFFFF  }
0x7e: {  	_ =	shalt  }

// kernel: sparse-core-data-format-call.cloned.1.call-start
scs
called_computation_lowered:
.L_overlay_start_0:
0x0: {  	s2 =	sld [smem:$0x3FD9]  }
0x1: {  	s3 =	sld [smem:$0x3FFE];
	_ =	sdelay $0x1  }
0x2: {  	s1 =	srdreg.scid  }
0x3: {  	s0 =	sand.u32 $0x1, s1  }
0x4: {  	s18 =	sshll.u32 s0, $0xA;
	s2 =	sadd.s32 s3, s2  }
0x5: {  	s2 =	sadd.s32 s2, s18  }
0x6: {  	[smem:$0x3FC3] =	sst s2  }
0x7: {  	_ = 	snop  }
0x8: {  	s2 =	sld [smem:$0x3FD0];
	(tm) =	ssettm $0x1  }
0x9: {  	s19 =	sld [smem:$0x3FFB];
	_ =	sdelay $0x3  }
0xa: {  	_ =	strace s19  }
0xb: {  	s3 =	sld [smem:$0x3FFC];
	_ =	sdelay $0x3  }
0xc: {  	_ =	strace s3  }
0xd: {  	s3 =	sld [smem:$0x3FFD];
	_ =	sdelay $0x3  }
0xe: {  	_ =	strace s3  }
0xf: {  	_ =	strace $0x8FFFFFFF  }
0x10: {  	s20 =	sld [smem:$0x3FDB];
	_ =	sdelay $0x1  }
0x11: {  	s4 =	simm.s32 $_scs_section_size  }
0x12: {  	s5 =	simm.s32 $_size__tile_overlayer_lowered;
	s6 =	simm.s32 $_tile_overlayer_lowered  }
0x13: {  	s23 =	simm.s32 $0x1BFF;
	s22 =	sshll.u32 s6, $0x1;
	s3 =	sadd.s32 s4, s20  }
0x14: {  	s7 =	simm.s32 $0x0;
	s21 =	sshll.u32 s5, $0x1;
	s5 =	sadd.s32 s22, s3  }
0x15: {  	[timem:s7], [sflag:s23] =	dma.local [hbm:s5], s21  }
0x16: {  	_ =	swait.ge [sflag:s23], s21  }
0x17: {  	s4 =	ssub.s32 $0x0, s21;
	[sflag:s23] =	ssyncset.done $0x0  }
0x18: {  	[sflag:s23] =	ssyncadd.s32 s4;
	_ =	sdelay $0x1  }
0x19: {  	s24 =	simm.s32 $0x1B8B  }
0x1a: {  	_ =	swait.ge [sflag:s24], $0x1  }
0x1b: {  	[sflag:s24] =	ssyncset.done $0x0  }
0x1c: {  	s26 =	simm.s32 $0x1B8E;
	s25 =	sld [smem:$0x3FFE];
	[sflag:s24] =	ssyncadd.s32 $0xFFFFFFFF  }
0x1d: {  	s27 =	simm.s32 $execute0_lowered;
	[smem:$0x3FD2] =	sst s26  }
0x1e: {  	s5 =	sshll.u32 s27, $0x1;
	_ =	strace $0x80000052;
	[dreg:$0x1] =	wrdreg $0xFFFFFFFF  }
0x1f: {  	s28 =	simm.s32 $_size_execute0_lowered;
	s3 =	sadd.s32 s3, s5;
	[dreg:$0x0] =	wrdreg $0x0  }
0x20: {  	s5 =	sshll.u32 s28, $0x1;
	[dreg:$0x2] =	wrdreg s3  }
0x21: {  	[dreg:$0x3] =	wrdreg s5  }
0x22: {  	[dreg:$0x4] =	wrdreg $0xC0  }
0x23: {  	_ =	task [dreg:s7], $0x5FFFF  }
0x24: {  	[dreg:$0x1] =	wrdreg $0xFFFFFFFF  }
0x25: {  	[dreg:$0x0] =	wrdreg $0x60  }
0x26: {  	[dreg:$0x2] =	wrdreg s25  }
0x27: {  	[dreg:$0x3] =	wrdreg s2  }
0x28: {  	[dreg:$0x4] =	wrdreg $0x9  }
0x29: {  	_ =	task.clear_ibuf [dreg:s7], $0x5FFFF;
	_ =	strace $0x90000052  }
0x2a: {  	s29 =	simm.s32 $0x9;
	_ =	strace $0x80000054  }
0x2b: {  	_ =	swait.ge [sflag:s29], $0x1  }
0x2c: {  	[sflag:s29] =	ssyncadd.s32 $0xFFFFFFFF  }
0x2d: {  	_ =	strace $0x90000054  }
0x2e: {  	_ =	sfence  }
0x2f: {  	s30 =	sld [smem:$0x0];
	_ =	sdelay $0x2  }
0x30: {  	s31 =	sshll.u32 s1, $0xD;
	s1 =	sshrl.u32 s1, $0x2  }
0x31: {  	s3 =	sand.u32 $0x4000, s31;
	s1 =	sadd.s32 s1, s30  }
0x32: {  	s0 =	sor.u32 s3, s0;
	s1 =	sshll.u32 s1, $0x11  }
0x33: {  	s0 =	sor.u32 s1, s0  }
0x34: {  	s0 =	sadd.s32 $0x8F2B, s0  }
0x35: {  	[sflag:s0] =	ssyncadd.remote.s32 $0x1  }
0x36: {  	_ =	sfence.sel $0xFFFF  }
0x37: {  	[dreg:$0x0] =	wrdreg $0xFFFFFFFF;
	(pc) =	sbr.abs _section_cstart, $3  }
0x38: {  	[dreg:$0x1] =	wrdreg $0xFFFFFFFF  }
0x39: {  	_ =	task.clear_ibuf [dreg:s7], $0x2FFFF;
	_ =	strace $0x9FFFFFFF  }
0x3a: {  	(tm) =	ssettm $0x7FFFFFFF  }
0x3b: {  	_ =	shalt  }
tec
execute0_lowered:
.L_overlay_start_1:
0x0: {  	(tag) =	ssettag $0x1  }
0x1: {  	s0 =	rddreg [dreg:$0x0];
	s1 =	srdreg.scid  }
0x2: {  	_ =	strace $0x80000053;
	s30 =	stileid.u32;
	s2 =	simm.s32 $0x1  }
0x3: {  	s31 =	simm.s32 $0x2;
	s17 =	simm.s32 $0x0;
	p0 =	por $0x0, $0x0  }
0x4: {  	s16 =	simm.s32 $0x0;
	s18 =	simm.s32 $0x0;
	s9 =	simm.s32 $0x0  }
.Ltmp0:
0x5: {  	s11 =	simm.s32 $0x0;
	s12 =	simm.s32 $0x0;
	(pc) =	sbr.rel .LBB1_1-.Ltmp0, $4  }
0x6: {  	s13 =	simm.s32 $0x0;
	s14 =	simm.s32 $0x0;
	s29 =	sshll.u32 s1, $0x4  }
0x7: {  	s10 =	simm.s32 $0x0;
	s7 =	sadd.s32 $0x1200, s0;
	s0 =	sand.u32 $0x10, s29  }
0x8: {  	[sflag:s2] =	ssyncpa.u1 $0x0;
	[dreg:$0x3] =	wrdreg s7;
	s8 =	sor.u32 s30, s0  }
0x9: {  	[sflag:s31] =	ssyncpa.u1 $0x0;
	s15 =	smov.u32 s8;
	[dreg:$0x4] =	wrdreg s8  }
.LBB1_14:
0xa: {  	s0 =	rddreg [dreg:$0x12]  }
0xb: {  	s12 =	rddreg [dreg:$0x8]  }
0xc: {  	s11 =	rddreg [dreg:$0x7]  }
0xd: {  	s9 =	rddreg [dreg:$0x5]  }
0xe: {  	s5 =	rddreg [dreg:$0x10]  }
0xf: {  	s6 =	rddreg [dreg:$0x11]  }
0x10: {  	s7 =	rddreg [dreg:$0xf]  }
0x11: {  	s27 =	rddreg [dreg:$0x1]  }
0x12: {  	s8 =	rddreg [dreg:$0x4]  }
0x13: {  	s10 =	rddreg [dreg:$0x6]  }
0x14: {  	s13 =	rddreg [dreg:$0x9]  }
0x15: {  	s14 =	rddreg [dreg:$0xa]  }
0x16: {  	s15 =	rddreg [dreg:$0xb]  }
0x17: {  	s16 =	rddreg [dreg:$0xc]  }
0x18: {  	s31 =	simm.s32 $0xE000;
	s17 =	rddreg [dreg:$0xd]  }
0x19: {  	s18 =	rddreg [dreg:$0xe];
	s0 =	smul.u32 $0x10200, s0;
	s1 =	sshll.u32 s12, $0x8  }
0x1a: {  	s2 =	sshll.u32 s11, $0x3;
	s3 =	sshll.u32 s12, $0x7;
	p1 =	sgt.s32 s11, $0x80  }
0x1b: {  	s4 =	smov.u32 s11;
	s25 =	sand.u32 $0x78, s11;
	s26 =	smul.u32 $0x1C00, s9  }
0x1c: {  	s28 =	sand.u32 $0x7, s11;
	s1 =	sand.u32 $0xFFFFF800, s1;
	s2 =	sand.u32 $0xFFFFFC00, s2  }
0x1d: {  	s21 =	sand.u32 $0x300, s3;
	s4 =	simm.s32 @!p1 $0x80;
	p1 =	sgt.s32 s9, $0x40  }
0x1e: {  	s3 =	sand.u32 $0x80, s3;
	s29 =	sshll.u32 s28, $0x12;
	s0 =	sshrl.u32 s0, $0x2  }
0x1f: {  	s1 =	sadd.s32 s1, s2;
	s2 =	smov.u32 s9;
	s4 =	sadd.s32 s5, s4  }
0x20: {  	s1 =	sor.u32 s21, s1;
	s2 =	simm.s32 @!p1 $0x40;
	s23 =	sadd.s32 $0xFFFFFF80, s4  }
0x21: {  	s4 =	ssub.s32 $0x100, s4;
	s1 =	sshrl.u32 s1, $0x8;
	p1 =	sgt.s32 s23, $0x7F  }
0x22: {  	s2 =	sadd.s32 s6, s2;
	s22 =	smulhi.u32 $0x124924A, s1;
	s4 =	simm.s32 @p1 $0x0  }
0x23: {  	s3 =	sor.u32 s25, s3;
	s24 =	sadd.s32 $0xFFFFFFC0, s2;
	s4 =	smul.u32 s7, s4  }
0x24: {  	s2 =	ssub.s32 $0xC0, s2;
	p1 =	sgt.s32 s24, $0x7F;
	s5 =	smul.u32 $0xE0, s22  }
0x25: {  	s30 =	sor.u32 $0x80, s29;
	s3 =	sshrl.u32 s3, $0x3;
	s2 =	simm.s32 @p1 $0x0  }
0x26: {  	s2 =	smul.u32 s2, s4;
	s4 =	sadd.s32 s27, s26;
	s1 =	ssub.s32 s1, s5  }
0x27: {  	s0 =	sor.u32 $0x8000, s0;
	s3 =	sadd.s32 s3, s4;
	s1 =	sshll.u32 s1, $0x5  }
0x28: {  	s7 =	rddreg [dreg:$0x3];
	s2 =	sand.u32 $0x3FFFFFFF, s2;
	s1 =	sadd.s32 s1, s3  }
0x29: {  	[hbm4b:s1+s30] =	stream.strided.scatter [tilespmem:s0], [sflag:$0x2], s2, s31, s30, $0x20;
	[tilespmem:$0x10100] =	vst v63  }
.LBB1_15:
0x2a: {  	p1 =	slt.u32 s10, $0x2;
	s1 =	smov.u32 s18;
	s3 =	smov.u32 s17  }
0x2b: {  	p2 =	sgt.s32 @!p1 s17, $0x40;
	s0 =	sshra.s32 @!p1 s17, $0x1F;
	p3 =	sgt.s32 @!p1 s18, $0xDF  }
0x2c: {  	s2 =	sshra.s32 @!p1 s18, $0x1F;
	s4 =	sshra.s32 @!p1 s16, $0x1F;
	p2 =	por !p2, p1  }
0x2d: {  	s0 =	sand.u32 @!p1 s0, s17;
	p3 =	por !p3, p1;
	s2 =	sand.u32 @!p1 s2, s18  }
0x2e: {  	s1 =	simm.s32 @p3 $0xDF;
	p3 =	sgt.s32 @!p1 s16, $0x80;
	s3 =	simm.s32 @p2 $0x40  }
0x2f: {  	s1 =	ssub.s32 @!p1 s1, s2;
	p3 =	por !p3, p1;
	s2 =	smov.u32 s16  }
0x30: {  	s4 =	sand.u32 @!p1 s4, s16;
	s0 =	ssub.s32 @!p1 s3, s0;
	s2 =	simm.s32 @p3 $0x80  }
0x31: {  	s3 =	sadd.s32 @!p1 $0xFFFFFF21, s1;
	s1 =	ssub.s32 @!p1 $0xE0, s1;
	s2 =	ssub.s32 @!p1 s2, s4  }
0x32: {  	s4 =	sadd.s32 @!p1 $0xFFFFFFC0, s0;
	p2 =	sgt.s32 @!p1 s3, $0x0;
	s3 =	sadd.s32 @!p1 $0xFFFFFF80, s2  }
0x33: {  	s0 =	ssub.s32 @!p1 $0xC0, s0;
	p2 =	por !p2, p1;
	p3 =	sgt.s32 @!p1 s3, $0x7F  }
0x34: {  	s2 =	ssub.s32 @!p1 $0x100, s2;
	s1 =	simm.s32 @!p2 $0x0;
	p2 =	por !p3, p1  }
0x35: {  	s3 =	sadd.s32 $0x80, s14;
	p3 =	sgt.s32 @!p1 s4, $0x7F;
	s2 =	simm.s32 @!p2 $0x0  }
0x36: {  	p2 =	por !p3, p1;
	s1 =	smul.u32 @!p1 s1, s2;
	s2 =	sadd.s32 $0x80, s13  }
0x37: {  	s4 =	smov.u32 s14;
	s0 =	simm.s32 @!p2 $0x0;
	p2 =	sgt.s32 s2, $0xBF  }
0x38: {  	s0 =	smul.u32 @!p1 s0, s1;
	s4 =	smov.u32 @p2 s3  }
0x39: {  	s1 =	sadd.s32 $0x20, s15;
	s3 =	smov.u32 s15;
	p3 =	sgt.s32 s4, $0xDF  }
0x3a: {  	s10 =	sadd.s32 $0x1, s10;
	p0 =	por !p0, !p0;
	s3 =	smov.u32 @p3 s1  }
0x3b: {  	s17 =	smov.u32 s9;
	s2 =	simm.s32 @p2 $0x0;
	p2 =	sgt.s32 s3, $0xDF  }
0x3c: {  	s18 =	smov.u32 s12;
	s3 =	smov.u32 @p2 s8;
	p2 =	sne.s32 s10, $0x1E  }
.Ltmp1:
0x3d: {  	s9 =	smov.u32 s13;
	s12 =	smov.u32 s15;
	(pc) =	sbr.rel @!p2 .LBB1_16-.Ltmp1, $4  }
0x3e: {  	s16 =	smov.u32 s11;
	s0 =	sand.u32 @!p1 $0x3FFFFFFF, s0;
	s1 =	simm.s32 @!p1 $0x2  }
0x3f: {  	s11 =	smov.u32 s14;
	s13 =	smov.u32 s2;
	_ =	swait.ge @!p1 [sflag:s1], s0  }
0x40: {  	s4 =	simm.s32 @p3 $0x0;
	s0 =	ssub.s32 @!p1 $0x0, s0;
	[sflag:s1] =	ssyncset.done @!p1 $0x0  }
0x41: {  	s14 =	smov.u32 s4;
	[sflag:s1] =	ssyncadd.s32 @!p1 s0;
	s15 =	smov.u32 s3  }
.LBB1_1:
0x42: {  	p1 =	sgt.u32 s10, $0x1B  }
0x43: {  	s2 =	smov.u32 s15;
	s0 =	sshll.u32 @!p1 s14, $0x8;
	s1 =	sshll.u32 @!p1 s13, $0x3  }
0x44: {  	p2 =	sgt.s32 @!p1 s15, $0xDF;
	s3 =	sshra.s32 @!p1 s15, $0x1F;
	s4 =	sshll.u32 @!p1 s14, $0x7  }
0x45: {  	p3 =	sgt.s32 @!p1 s14, $0x60;
	s5 =	sshra.s32 @!p1 s13, $0x1F;
	s0 =	sand.u32 @!p1 $0xFFFFF800, s0  }
0x46: {  	s1 =	sand.u32 @!p1 $0xFFFFFC00, s1;
	p2 =	por !p2, p1;
	s3 =	sand.u32 @!p1 s3, s15  }
0x47: {  	p3 =	por !p3, p1;
	s5 =	sand.u32 @!p1 s5, s13;
	s2 =	simm.s32 @p2 $0xDF  }
0x48: {  	s0 =	sadd.s32 @!p1 s0, s1;
	s1 =	sand.u32 @!p1 $0x300, s4;
	s2 =	ssub.s32 @!p1 s2, s3  }
0x49: {  	s0 =	sor.u32 @!p1 s1, s0;
	s3 =	sshra.s32 @!p1 s14, $0x1F;
	s1 =	sadd.s32 @!p1 $0xFFFFFF21, s2  }
0x4a: {  	p2 =	sgt.s32 @!p1 s1, $0x0;
	s1 =	ssub.s32 @!p1 $0xE0, s2;
	s2 =	smov.u32 s14  }
0x4b: {  	s3 =	sand.u32 @!p1 s3, s14;
	s2 =	simm.s32 @p3 $0x60;
	p3 =	sgt.s32 @!p1 s13, $0x80  }
0x4c: {  	s2 =	ssub.s32 @!p1 s2, s3;
	p3 =	por !p3, p1;
	s3 =	smov.u32 s13  }
0x4d: {  	p2 =	por !p2, p1;
	s6 =	sadd.s32 @!p1 $0xFFFFFFA0, s2;
	s3 =	simm.s32 @p3 $0x80  }
0x4e: {  	s1 =	simm.s32 @!p2 $0x0;
	p3 =	sgt.s32 @!p1 s6, $0x7F;
	s3 =	ssub.s32 @!p1 s3, s5  }
0x4f: {  	s2 =	ssub.s32 @!p1 $0xE0, s2;
	p2 =	por !p3, p1;
	s5 =	sadd.s32 @!p1 $0xFFFFFF80, s3  }
0x50: {  	s0 =	sshrl.u32 @!p1 s0, $0x8;
	s2 =	simm.s32 @!p2 $0x0;
	p2 =	sgt.s32 @!p1 s5, $0x7F  }
0x51: {  	s1 =	smul.u32 @!p1 s1, s2;
	s2 =	ssub.s32 @!p1 $0x100, s3;
	p2 =	por !p2, p1  }
0x52: {  	s3 =	smulhi.u32 @!p1 $0x124924A, s0;
	s2 =	simm.s32 @!p2 $0x0  }
0x53: {  	s4 =	sand.u32 @!p1 $0x80, s4;
	s1 =	smul.u32 @!p1 s2, s1  }
0x54: {  	s5 =	sxor.u32 @!p1 $0xFFFFFFFF, s10;
	s2 =	sand.u32 @!p1 $0x78, s13;
	s3 =	smul.u32 @!p1 $0xE0, s3  }
0x55: {  	s5 =	sshll.u32 @!p1 s5, $0xE;
	s2 =	sor.u32 @!p1 s2, s4;
	s4 =	smul.u32 @!p1 $0x1C00, s15  }
0x56: {  	s5 =	sand.u32 @!p1 $0x4000, s5;
	s0 =	ssub.s32 @!p1 s0, s3;
	s1 =	sand.u32 @!p1 $0x3FFFFFFF, s1  }
0x57: {  	s2 =	sshrl.u32 @!p1 s2, $0x3;
	s3 =	sadd.s32 @!p1 s7, s4;
	s4 =	sand.u32 @!p1 $0x7, s13  }
0x58: {  	s0 =	sshll.u32 @!p1 s0, $0x5;
	s2 =	sadd.s32 @!p1 s2, s3;
	s3 =	sshll.u32 @!p1 s4, $0x12  }
0x59: {  	s0 =	sadd.s32 @!p1 s0, s2;
	s2 =	sor.u32 @!p1 $0x400, s3;
	s3 =	simm.s32 @!p1 $0x800  }
0x5a: {  	[tilespmem:s5], [sflag:$0x1] =	stream.strided.gather @!p1 [hbm4b:s0+s2], s1, s3, s2, $0x38;
	[tilespmem:$0x10100] =	vst v63  }
0x5b: {  	p1 =	seq.s32 s10, $0x0  }
0x5c: {  	p2 =	seq.s32 @!p1 s10, $0x1D  }
0x5d: {  	p1 =	por p1, p2  }
.Ltmp2:
0x5e: {  	_ = 	snop;
	(pc) =	sbr.rel @p1 .LBB1_15-.Ltmp2, $1  }
0x5f: {  	_ =	sdelay $0x3  }
0x60: {  	[dreg:$0xe] =	wrdreg s18  }
0x61: {  	[dreg:$0xd] =	wrdreg s17  }
0x62: {  	[dreg:$0xc] =	wrdreg s16  }
0x63: {  	[dreg:$0xb] =	wrdreg s15  }
0x64: {  	[dreg:$0xa] =	wrdreg s14  }
0x65: {  	[dreg:$0x9] =	wrdreg s13;
	p1 =	sgt.s32 s12, $0xDF;
	s0 =	smov.u32 s12  }
0x66: {  	s1 =	sshra.s32 s12, $0x1F;
	s25 =	ssub.s32 $0x0, s11;
	s2 =	sshra.s32 s11, $0x1F  }
0x67: {  	s3 =	smov.u32 s11;
	p2 =	sgt.s32 s9, $0x80;
	s27 =	ssub.s32 $0x0, s9  }
0x68: {  	s28 =	sshra.s32 s9, $0x1F;
	s0 =	simm.s32 @!p1 $0xDF;
	s1 =	sand.u32 s1, s12  }
0x69: {  	p1 =	sgt.s32 s11, $0x60;
	s29 =	sand.u32 s27, s28;
	s0 =	ssub.s32 s0, s1  }
0x6a: {  	s1 =	sand.u32 s25, s2;
	s3 =	simm.s32 @!p1 $0x60;
	s2 =	smov.u32 s9  }
0x6b: {  	s4 =	sadd.s32 $0xFFFFFF21, s0;
	[dreg:$0x10] =	wrdreg s1;
	s1 =	sadd.s32 s1, s3  }
0x6c: {  	s5 =	ssub.s32 $0xE0, s0;
	s2 =	simm.s32 @!p2 $0x80;
	p1 =	sgt.s32 s4, $0x0  }
0x6d: {  	s26 =	sadd.s32 $0xFFFFFFA0, s1;
	s0 =	ssub.s32 $0xE0, s1;
	s1 =	sadd.s32 s29, s2  }
0x6e: {  	[dreg:$0x5] =	wrdreg s9;
	s5 =	simm.s32 @p1 $0x0;
	s2 =	sadd.s32 $0xFFFFFF80, s1  }
0x6f: {  	s1 =	ssub.s32 $0x100, s1;
	p1 =	sgt.s32 s2, $0x7F;
	s2 =	sadd.s32 $0x1, s12  }
0x70: {  	s3 =	sadd.s32 $0x80, s11;
	s1 =	simm.s32 @p1 $0x0;
	p1 =	slt.s32 s2, $0xE0  }
0x71: {  	p2 =	sgt.s32 s26, $0x7F;
	s2 =	simm.s32 @!p1 $0xE0;
	p1 =	slt.s32 s3, $0xE0  }
0x72: {  	s0 =	simm.s32 @p2 $0x0;
	s20 =	ssub.s32 s2, s12;
	s3 =	simm.s32 @!p1 $0xE0  }
0x73: {  	s0 =	smul.u32 s5, s0;
	s21 =	ssub.s32 s3, s11;
	p1 =	slt.s32 s20, $0x1  }
0x74: {  	[dreg:$0x8] =	wrdreg s12;
	p2 =	slt.s32 @!p1 s21, $0x1  }
0x75: {  	[dreg:$0x7] =	wrdreg s11;
	s0 =	smul.u32 s1, s0;
	p1 =	por p1, p2  }
.Ltmp3:
0x76: {  	[dreg:$0x11] =	wrdreg s29;
	(pc) =	sbr.rel @p1 .LBB1_14-.Ltmp3, $4  }
0x77: {  	s30 =	simm.s32 $0x1;
	[dreg:$0xf] =	wrdreg s5;
	s0 =	sand.u32 $0x3FFFFFFF, s0  }
0x78: {  	s31 =	sand.u32 $0x1, s10;
	_ =	swait.ge [sflag:s30], s0  }
0x79: {  	s0 =	ssub.s32 $0x0, s0;
	[dreg:$0x6] =	wrdreg s10;
	[sflag:s30] =	ssyncset.done $0x0  }
0x7a: {  	[dreg:$0x12] =	wrdreg s31;
	[sflag:s30] =	ssyncadd.s32 s0  }
0x7b: {  	s2 =	rddreg [dreg:$0x5]  }
0x7c: {  	s0 =	sadd.s32 $0x80, s2  }
0x7d: {  	p1 =	slt.s32 s0, $0xC0  }
0x7e: {  	s0 =	simm.s32 @!p1 $0xC0  }
0x7f: {  	s1 =	simm.s32 $0x1;
	s0 =	ssub.s32 s0, s2  }
0x80: {  	s1 =	simm.s32 @!p0 $0x0;
	s0 =	sadd.s32 $0xF, s0  }
0x81: {  	s1 =	smul.u32 $0x10200, s1;
	s22 =	sshrl.u32 s0, $0x8  }
0x82: {  	s3 =	smul.u32 $0x20400, s22  }
.Ltmp4:
0x83: {  	s31 =	rddreg [dreg:$0x12];
	s29 =	simm.s32 $0x0;
	(pc) =	sbr.rel .LBB1_4-.Ltmp4, $4  }
0x84: {  	s30 =	simm.s32 $0x0;
	s25 =	sshll.u32 s31, $0xE;
	s4 =	sshrl.u32 s1, $0x2  }
0x85: {  	s26 =	sadd.s32 $0xF8F0, s4;
	s23 =	sand.u32 $0xFFFFFFF0, s0;
	s1 =	sadd.s32 s1, s3  }
0x86: {  	s24 =	sand.u32 $0xFFFFFF00, s0;
	p1 =	slt.s32 s0, $0x100;
	s1 =	sshra.s32 s1, $0x2  }
0x87: {  	s28 =	sshll.u32 s22, $0xB;
	p2 =	sge.s32 s24, s23;
	s27 =	sadd.s32 $0x8000, s1  }
.LBB1_13:
0x88: {  	s30 =	sadd.s32 $0x1, s30  }
0x89: {  	p3 =	sne.s32 s30, s20  }
.Ltmp5:
0x8a: {  	_ = 	snop;
	(pc) =	sbr.rel @!p3 .LBB1_14-.Ltmp5, $2  }
0x8b: {  	_ =	sdelay $0x2  }
0x8c: {  	s29 =	sadd.s32 $0x1, s29  }
.LBB1_4:
.Ltmp6:
0x8d: {  	s0 =	sand.u32 $0x7, s29;
	(pc) =	sbr.rel .LBB1_5-.Ltmp6, $4  }
0x8e: {  	s1 =	sshll.u32 s30, $0x10;
	s0 =	smul.u32 $0x204, s0  }
0x8f: {  	s6 =	simm.s32 $0x0;
	s1 =	sshra.s32 s1, $0x2  }
0x90: {  	s4 =	simm.s32 $0x0;
	s31 =	sadd.s32 s1, s25;
	s2 =	sshrl.u32 s0, $0x2  }
0x91: {  	s0 =	sadd.s32 s2, s26;
	s1 =	sadd.s32 s2, s27;
	s2 =	simm.s32 $0x0  }
.LBB1_12:
0x92: {  	s4 =	sadd.s32 $0x1, s4  }
0x93: {  	p3 =	sne.s32 s4, s21  }
.Ltmp7:
0x94: {  	_ = 	snop;
	(pc) =	sbr.rel @!p3 .LBB1_13-.Ltmp7, $2  }
0x95: {  	_ =	sdelay $0x2  }
0x96: {  	s6 =	sadd.s32 $0x80, s6;
	s2 =	sadd.s32 $0x1, s2  }
.LBB1_5:
.Ltmp8:
0x97: {  	(pc) =	sbr.rel @p1 .LBB1_9-.Ltmp8, $2  }
0x98: {  	_ =	sdelay $0x2  }
0x99: {  	s5 =	sand.u32 $0x7F, s2;
	s3 =	sshll.u32 s4, $0x7  }
0x9a: {  	s14 =	sand.u32 $0x380, s3  }
0x9b: {  	s15 =	sadd.s32 s14, s31  }
0x9c: {  	s13 =	simm.s32 $0x480;
	s16 =	simm.s32 $0x700;
	s17 =	simm.s32 $0x500;
	v0 =	vmov s15  }
0x9d: {  	s19 =	simm.s32 $0x580;
	s22 =	simm.s32 $0x600;
	s10 =	simm.s32 $0x680  }
0x9e: {  	s12 =	sadd.s32 $0x780, s6;
	p3 =	sgt.s32 s24, $0x100;
	s16 =	sand.u32 $0x3C00, s16  }
0x9f: {  	s14 =	simm.s32 $0x780;
	s16 =	sadd.s32 s3, s16;
	s15 =	sand.u32 $0x3C00, s13  }
0xa0: {  	s17 =	sand.u32 $0x3C00, s17;
	s16 =	sand.u32 $0x3C00, s16;
	s15 =	sadd.s32 s3, s15  }
0xa1: {  	s19 =	sand.u32 $0x3C00, s19;
	s17 =	sadd.s32 s3, s17;
	s15 =	sand.u32 $0x3C00, s15;
	v3 =	vld.idx.msk [tilespmem:v0+s16+$0x60 ss:$0x1], $0xffff  }
0xa2: {  	s10 =	sand.u32 $0x3C00, s10;
	s19 =	sadd.s32 s3, s19;
	s8 =	sand.u32 $0x3C00, s17;
	v7 =	vld.idx.msk [tilespmem:v0+s15+$0x10 ss:$0x1], $0xffff  }
0xa3: {  	s7 =	sand.u32 $0x3C00, s22;
	s10 =	sadd.s32 s3, s10;
	s11 =	sand.u32 $0x3C00, s19;
	v1 =	vld.idx.msk [tilespmem:v0+s8+$0x20 ss:$0x1], $0xffff  }
.Ltmp9:
0xa4: {  	s9 =	sadd.s32 s3, s7;
	s10 =	sand.u32 $0x3C00, s10;
	v6 =	vld.idx.msk [tilespmem:v0+s11+$0x30 ss:$0x1], $0xffff;
	(pc) =	sbr.rel @!p3 .LBB1_8-.Ltmp9, $4  }
0xa5: {  	s13 =	sadd.s32 $0xFFFFF880, s12;
	s14 =	sand.u32 $0x3C00, s14;
	s16 =	sand.u32 $0x3C00, s9;
	v2 =	vld.idx.msk [tilespmem:v0+s10+$0x50 ss:$0x1], $0xffff  }
0xa6: {  	s18 =	sadd.s32 s5, s0;
	s17 =	sand.u32 $0x3C00, s13;
	s14 =	sadd.s32 s3, s14;
	v4 =	vld.idx.msk [tilespmem:v0+s16+$0x40 ss:$0x1], $0xffff  }
0xa7: {  	s22 =	simm.s32 $0x100;
	s19 =	sadd.s32 $0xFFFFFC80, s12;
	s14 =	sand.u32 $0x3C00, s14;
	v5 =	vld.idx.msk [tilespmem:v0+s17+$0x10 ss:$0x1], $0xffff;
	[tilespmem:s18+$0xFFFFF7F0 ss:$0x81] =	vst.msk $0xffff, v3  }
0xa8: {  	s15 =	simm.s32 $0xF80;
	s16 =	sand.u32 $0x3C00, s19;
	s19 =	smov.u32 s18;
	v3 =	vld.idx.msk [tilespmem:v0+s17+$0x0 ss:$0x1], $0xffff;
	[tilespmem:s18+$0xFFFFCFA0 ss:$0x81] =	vst.msk $0xffff, v7  }
.LBB1_7:
0xa9: {  	s10 =	sadd.s32 $0xFFFFFD00, s15;
	s7 =	sadd.s32 $0xFFFFFF80, s15;
	s22 =	sadd.s32 $0x100, s22;
	v7 =	vld.idx.msk [tilespmem:v0+s17+$0x20 ss:$0x1], $0xffff;
	[tilespmem:s18+$0xFFFFD7B0 ss:$0x81] =	vst.msk $0xffff, v1  }
0xaa: {  	s9 =	sadd.s32 $0xFFFFFD80, s15;
	s7 =	sand.u32 $0x3C00, s7;
	p3 =	slt.s32 s22, s24;
	v1 =	vld.idx.msk [tilespmem:v0+s17+$0x30 ss:$0x1], $0xffff;
	[tilespmem:s18+$0xFFFFDFC0 ss:$0x81] =	vst.msk $0xffff, v6  }
0xab: {  	s13 =	sadd.s32 $0xFFFFFE00, s15;
	s11 =	sadd.s32 $0xFFFFFE80, s15;
	s7 =	sadd.s32 s3, s7;
	v6 =	vld.idx.msk [tilespmem:v0+s17+$0x40 ss:$0x1], $0xffff;
	[tilespmem:s18+$0xFFFFE7D0 ss:$0x81] =	vst.msk $0xffff, v4  }
0xac: {  	s12 =	sadd.s32 $0xFFFFFF00, s15;
	s10 =	sand.u32 $0x3C00, s10;
	s7 =	sand.u32 $0x3C00, s7;
	v4 =	vld.idx.msk [tilespmem:v0+s17+$0x50 ss:$0x1], $0xffff;
	[tilespmem:s18+$0xFFFFEFE0 ss:$0x81] =	vst.msk $0xffff, v2  }
0xad: {  	s9 =	sand.u32 $0x3C00, s9;
	s13 =	sand.u32 $0x3C00, s13;
	s11 =	sand.u32 $0x3C00, s11;
	v2 =	vld.idx.msk [tilespmem:v0+s7+$0x60 ss:$0x1], $0xffff;
	[tilespmem:s18+$0xFFFF8710 ss:$0x81] =	vst.msk $0xffff, v3  }
0xae: {  	s8 =	sand.u32 $0x3C00, s15;
	s12 =	sand.u32 $0x3C00, s12;
	s7 =	sadd.s32 s15, s6;
	[tilespmem:s18+$0xFFFF8F20 ss:$0x81] =	vst.msk $0xffff, v5;
	v3 =	vld.idx.msk [tilespmem:v0+s17+$0x60 ss:$0x1], $0xffff  }
0xaf: {  	s10 =	sadd.s32 s3, s10;
	s9 =	sadd.s32 s3, s9;
	s13 =	sadd.s32 s3, s13;
	[tilespmem:s18+$0xFFFF9730 ss:$0x81] =	vst.msk $0xffff, v7;
	v5 =	vld.idx.msk [tilespmem:v0+s17+$0x70 ss:$0x1], $0xffff  }
0xb0: {  	s11 =	sadd.s32 s3, s11;
	s12 =	sadd.s32 s3, s12;
	s17 =	sadd.s32 $0xFFFFF880, s7;
	[tilespmem:s18+$0xFFFF9F40 ss:$0x81] =	vst.msk $0xffff, v1;
	v7 =	vld.idx.msk [tilespmem:v0+s16+$0x0 ss:$0x1], $0xffff  }
0xb1: {  	s8 =	sadd.s32 s3, s8;
	s10 =	sand.u32 $0x3C00, s10;
	s7 =	sadd.s32 $0xFFFFFC80, s7;
	[tilespmem:s18+$0xFFFFA750 ss:$0x81] =	vst.msk $0xffff, v6;
	v8 =	vld.idx.msk [tilespmem:v0+s14+$0x70 ss:$0x1], $0xffff  }
0xb2: {  	s9 =	sand.u32 $0x3C00, s9;
	s18 =	sadd.s32 $0x8100, s18;
	v9 =	vld.idx.msk [tilespmem:v0+s10+$0x10 ss:$0x1], $0xffff;
	s10 =	sand.u32 $0x3C00, s13;
	[tilespmem:s19+$0xFFFFAF60 ss:$0x81] =	vst.msk $0xffff, v4  }
0xb3: {  	s17 =	sand.u32 $0x3C00, s17;
	v1 =	vld.idx.msk [tilespmem:v0+s9+$0x20 ss:$0x1], $0xffff;
	s9 =	sand.u32 $0x3C00, s11;
	s11 =	sand.u32 $0x3C00, s12;
	[tilespmem:s18+$0xFFFFF7F0 ss:$0x81] =	vst.msk $0xffff, v2  }
.Ltmp10:
0xb4: {  	s16 =	sand.u32 $0x3C00, s7;
	s14 =	sand.u32 $0x3C00, s8;
	v6 =	vld.idx.msk [tilespmem:v0+s10+$0x30 ss:$0x1], $0xffff;
	[tilespmem:s19+$0xFFFFB770 ss:$0x81] =	vst.msk $0xffff, v3;
	(pc) =	sbr.rel @p3 .LBB1_7-.Ltmp10, $4  }
0xb5: {  	v4 =	vld.idx.msk [tilespmem:v0+s9+$0x40 ss:$0x1], $0xffff;
	[tilespmem:s19+$0xFFFFBF80 ss:$0x81] =	vst.msk $0xffff, v5  }
0xb6: {  	v2 =	vld.idx.msk [tilespmem:v0+s11+$0x50 ss:$0x1], $0xffff;
	[tilespmem:s19+$0xFFFFC790 ss:$0x81] =	vst.msk $0xffff, v7  }
0xb7: {  	v3 =	vld.idx.msk [tilespmem:v0+s17+$0x0 ss:$0x1], $0xffff;
	[tilespmem:s19+$0x0 ss:$0x81] =	vst.msk $0xffff, v8;
	s19 =	smov.u32 s18  }
0xb8: {  	s15 =	sadd.s32 $0x800, s15;
	v5 =	vld.idx.msk [tilespmem:v0+s17+$0x10 ss:$0x1], $0xffff;
	[tilespmem:s18+$0xFFFFCFA0 ss:$0x81] =	vst.msk $0xffff, v9  }
.LBB1_8:
0xb9: {  	_ =	sdelay $0x2  }
0xba: {  	[tilespmem:s18+$0xFFFFD7B0 ss:$0x81] =	vst.msk $0xffff, v1  }
0xbb: {  	v56 =	vld.idx.msk [tilespmem:v0+s17+$0x20 ss:$0x1], $0xffff;
	[tilespmem:s18+$0xFFFFDFC0 ss:$0x81] =	vst.msk $0xffff, v6  }
0xbc: {  	v57 =	vld.idx.msk [tilespmem:v0+s17+$0x30 ss:$0x1], $0xffff;
	[tilespmem:s18+$0xFFFFE7D0 ss:$0x81] =	vst.msk $0xffff, v4  }
0xbd: {  	v58 =	vld.idx.msk [tilespmem:v0+s17+$0x40 ss:$0x1], $0xffff;
	[tilespmem:s18+$0xFFFFEFE0 ss:$0x81] =	vst.msk $0xffff, v2  }
0xbe: {  	v59 =	vld.idx.msk [tilespmem:v0+s17+$0x50 ss:$0x1], $0xffff;
	[tilespmem:s18+$0xFFFF8710 ss:$0x81] =	vst.msk $0xffff, v3  }
0xbf: {  	v60 =	vld.idx.msk [tilespmem:v0+s17+$0x60 ss:$0x1], $0xffff;
	[tilespmem:s18+$0xFFFF8F20 ss:$0x81] =	vst.msk $0xffff, v5  }
0xc0: {  	v61 =	vld.idx.msk [tilespmem:v0+s17+$0x70 ss:$0x1], $0xffff;
	[tilespmem:s18+$0xFFFF9730 ss:$0x81] =	vst.msk $0xffff, v56  }
0xc1: {  	v62 =	vld.idx.msk [tilespmem:v0+s16+$0x0 ss:$0x1], $0xffff;
	[tilespmem:s18+$0xFFFF9F40 ss:$0x81] =	vst.msk $0xffff, v57  }
0xc2: {  	v63 =	vld.idx.msk [tilespmem:v0+s14+$0x70 ss:$0x1], $0xffff;
	[tilespmem:s18+$0xFFFFA750 ss:$0x81] =	vst.msk $0xffff, v58  }
0xc3: {  	[tilespmem:s19+$0xFFFFAF60 ss:$0x81] =	vst.msk $0xffff, v59  }
0xc4: {  	[tilespmem:s19+$0xFFFFB770 ss:$0x81] =	vst.msk $0xffff, v60  }
0xc5: {  	[tilespmem:s19+$0xFFFFBF80 ss:$0x81] =	vst.msk $0xffff, v61  }
0xc6: {  	[tilespmem:s19+$0xFFFFC790 ss:$0x81] =	vst.msk $0xffff, v62  }
0xc7: {  	[tilespmem:s19+$0x0 ss:$0x81] =	vst.msk $0xffff, v63  }
.LBB1_9:
.Ltmp11:
0xc8: {  	(pc) =	sbr.rel @p2 .LBB1_12-.Ltmp11, $1  }
0xc9: {  	_ =	sdelay $0x3  }
0xca: {  	s14 =	sand.u32 $0x380, s3;
	s5 =	sadd.s32 s5, s1  }
0xcb: {  	s15 =	smov.u32 s28;
	s16 =	smov.u32 s24;
	s14 =	sadd.s32 s14, s31  }
.LBB1_11:
0xcc: {  	s7 =	sand.u32 $0x3C00, s15  }
0xcd: {  	s7 =	sadd.s32 s3, s7  }
0xce: {  	s7 =	sand.u32 $0x3C00, s7  }
0xcf: {  	s8 =	sand.u32 $0x70, s16;
	s7 =	sadd.s32 s7, s14  }
0xd0: {  	s16 =	sadd.s32 $0x10, s16;
	s7 =	sadd.s32 s8, s7  }
0xd1: {  	p3 =	slt.s32 s16, s23;
	v0 =	vld [tilespmem:s7+$0x0]  }
.Ltmp12:
0xd2: {  	_ = 	snop;
	(pc) =	sbr.rel @p3 .LBB1_11-.Ltmp12, $2  }
0xd3: {  	_ =	sdelay $0x2  }
0xd4: {  	s15 =	sadd.s32 $0x80, s15;
	[tilespmem:s5+$0x0 ss:$0x81] =	vst.msk $0xffff, v0;
	s5 =	sadd.s32 $0x810, s5  }
.Ltmp13:
0xd5: {  	_ = 	snop;
	(pc) =	sbr.rel .LBB1_12-.Ltmp13, $1  }
0xd6: {  	_ =	sdelay $0x3  }
.LBB1_16:
0xd7: {  	_ =	sfence.sel $0x180000  }
0xd8: {  	s0 =	simm.s32 $0x1;
	[bflag:$0x0] =	sbarrier.arrive $0xFFFF  }
0xd9: {  	s30 =	simm.s32 $0x2;
	[sflag:s0] =	ssyncpa.u1 $0x1  }
0xda: {  	[sflag:s30] =	ssyncpa.u1 $0x1  }
0xdb: {  	_ =	strace $0x90000053  }
0xdc: {  	s31 =	stileid.u32;
	[bflag:$0x2] =	sbarrier.arrive $0xFFFF  }
0xdd: {  	p0 =	sne.s32 s31, $0x0;
	s0 =	rddreg [dreg:$0x2]  }
0xde: {  	s0 =	sadd.s32 @!p0 $0x100000, s0  }
0xdf: {  	[sflag:s0] =	ssyncadd.tile.s32 @!p0 $0x1;
	_ =	shalt  }
.Lfunc_end1:
_tile_overlayer_lowered:
.L_overlay_start_2:
0xe0: {  	(tag) =	ssettag $0x2  }
0xe1: {  	s0 =	rddreg [dreg:$0x0];
	s2 =	stileid.u32  }
0xe2: {  	s1 =	rddreg [dreg:$0x1];
	p0 =	sne.s32 s2, $0x0  }
0xe3: {  	s3 =	rddreg [dreg:$0x2];
	[bflag:$0x3] =	sbarrier.arrive $0xFFFF;
	s2 =	simm.s32 @!p0 $0x1C01  }
0xe4: {  	[timem:s3], [sflag:s2] =	dma.local @!p0 [hbm:s0], s1  }
0xe5: {  	s0 =	simm.s32 @!p0 $0x1  }
0xe6: {  	_ =	swait.ge @!p0 [sflag:s0], s1  }
0xe7: {  	s1 =	ssub.s32 @!p0 $0x0, s1;
	[sflag:s0] =	ssyncset.done @!p0 $0x0  }
0xe8: {  	[sflag:s0] =	ssyncadd.s32 @!p0 s1  }
0xe9: {  	[bflag:$0x3] =	sbarrier.arrive $0xFFFF  }
0xea: {  	_ =	shalt  }

</sc_bundles>
